<compile_context>
chip_gen: v7x
topology: tpu7x:2x2x1
jax: 0.10.2.dev20260603
libtpu: 0.0.44.dev20260713+nightly
codegen_flags: <defaults>
</compile_context>

<pallas_src>
import functools

import jax
import jax.numpy as jnp
from jax import lax
from jax.experimental import pallas as pl
from jax.experimental.pallas import tpu as pltpu
from jax.experimental.pallas import tpu_sc as plsc

_B, _S, _D = 16, 2048, 64
_N = _B * _S
_NW = 32
_RPW = _N // _NW
_G = 128
_NG = _RPW // _G
_CHUNK = 256
_NCHUNK = _RPW // _CHUNK
_L = 16

_mesh = plsc.VectorSubcoreMesh(core_axis_name="c", subcore_axis_name="s")


@functools.partial(
    pl.kernel,
    mesh=_mesh,
    out_type=jax.ShapeDtypeStruct((_B, _S, _D), jnp.float32),
    scratch_types=[
        pltpu.VMEM((_NG, _G), jnp.int32),
        pltpu.VMEM((_RPW, _D), jnp.float32),
        pltpu.VMEM((_CHUNK, _D), jnp.float32),
        pltpu.VMEM((_CHUNK, _D), jnp.float32),
        pltpu.SemaphoreType.DMA,
        pltpu.SemaphoreType.DMA,
    ],
    compiler_params=pltpu.CompilerParams(use_tc_tiling_on_sc=False),
)
def _emb_lookup(x_hbm, tok_hbm, pos_hbm, out_hbm, ids_v, rows_v, pb0, pb1,
                gsem, ssem):
    cid = lax.axis_index("c")
    sid = lax.axis_index("s")
    wid = sid * 2 + cid
    base = wid * _RPW
    pos_base = lax.rem(base, _S)

    x0 = pl.multiple_of(wid * _NG, 8)
    pltpu.sync_copy(x_hbm.at[pl.ds(x0, _NG)], ids_v)

    gcps = [
        pltpu.async_copy(
            tok_hbm.at[ids_v.at[g]],
            rows_v.at[pl.ds(g * _G, _G)],
            gsem,
        )
        for g in range(_NG)
    ]

    pbs = [pb0, pb1]
    scps = [None] * _NCHUNK
    gpc = _CHUNK // _G
    for k in range(_NCHUNK):
        pb = pbs[k % 2]
        if k >= 2:
            scps[k - 2].wait()
        p0 = pl.multiple_of(pos_base + k * _CHUNK, 8)
        pltpu.sync_copy(pos_hbm.at[pl.ds(p0, _CHUNK)], pb)
        for g in range(gpc):
            gcps[k * gpc + g].wait()

        @plsc.parallel_loop(0, _CHUNK, unroll=8)
        def _add(r):
            for c in range(_D // _L):
                sl = pl.ds(c * _L, _L)
                pb[r, sl] = pb[r, sl] + rows_v[k * _CHUNK + r, sl]

        b = base // _S
        s0 = pl.multiple_of(pos_base + k * _CHUNK, 8)
        scps[k] = pltpu.async_copy(pb, out_hbm.at[b, pl.ds(s0, _CHUNK)],
                                   ssem)
    scps[_NCHUNK - 2].wait()
    scps[_NCHUNK - 1].wait()


def kernel(x, token_emb, pos_emb):
    idx = x.astype(jnp.int32).reshape(_N // _G, _G)
    return _emb_lookup(idx, token_emb, pos_emb)

# --- scband reference (transcript-rebuilt; emitter-appended) ---
"""Pipeline reference for scband-persistent-registry-embeddings-44719199486392 (READ-ONLY COPY).

The authoritative reference and input builder live on the scoring server;
editing this copy changes nothing except your own understanding.
"""

import jax, jax.numpy as jnp
import numpy as np

VOCAB = 100000
D_MODEL = 64
MAX_LEN = 2048
BATCH = 16
SEQ = 2048

def setup_inputs(seed: int = 0) -> dict:
    key = jax.random.key(seed)
    k1, k2, k3 = jax.random.split(key, 3)
    x = jax.random.randint(k1, (BATCH, SEQ), 0, VOCAB, dtype=jnp.int64 if jax.config.jax_enable_x64 else jnp.int32)
    token_emb = jax.random.normal(k2, (VOCAB, D_MODEL), dtype=jnp.float32)
    pos_emb = jax.random.normal(k3, (MAX_LEN, D_MODEL), dtype=jnp.float32)
    return {"x": x, "token_emb": token_emb, "pos_emb": pos_emb}

def reference(x, token_emb, pos_emb):
    batch_size, seq_len = x.shape
    positions = jnp.broadcast_to(jnp.arange(seq_len)[None, :], (batch_size, seq_len))
    token_embeddings = jnp.take(token_emb, x, axis=0)
    pos_embeddings = jnp.take(pos_emb, positions, axis=0)
    embeddings = token_embeddings + pos_embeddings
    return embeddings

if __name__ == "__main__":
    import jax
    _d = setup_inputs()
    print(jax.jit(kernel)(*tuple(_d.values())))

</pallas_src>

<mosaic_0001>
#map = affine_map<(d0, d1) -> (0, 0)>
#map1 = affine_map<(d0, d1) -> (0, 0, 0)>
module attributes {stable_mosaic.version = 14 : i64} {
  func.func @_emb_lookup(%arg0: i32, %arg1: i32, %arg2: memref<256x128xi32, #tpu.memory_space<hbm>>, %arg3: memref<100000x64xf32, #tpu.memory_space<hbm>>, %arg4: memref<2048x64xf32, #tpu.memory_space<hbm>>, %arg5: memref<16x2048x64xf32, #tpu.memory_space<hbm>>, %arg6: memref<8x128xi32, #tpu.memory_space<vmem>>, %arg7: memref<1024x64xf32, #tpu.memory_space<vmem>>, %arg8: memref<256x64xf32, #tpu.memory_space<vmem>>, %arg9: memref<256x64xf32, #tpu.memory_space<vmem>>, %arg10: memref<!tpu.dma_semaphore, #tpu.memory_space<semaphore_mem>>, %arg11: memref<!tpu.dma_semaphore, #tpu.memory_space<semaphore_mem>>) attributes {dimension_semantics = [#tpu.dimension_semantics<core_parallel>, #tpu.dimension_semantics<subcore_parallel>], iteration_bounds = array<i64: 2, 16>, scalar_prefetch = 0 : i64, scratch_operands = 6 : i64, tpu.core_type = #tpu.core_type<sc_vector_subcore>, window_params = [{transform_indices = #map}, {transform_indices = #map}, {transform_indices = #map}, {transform_indices = #map1}]} {
    %mul3A = arith.constant 2 : i32
    %mul3A_0 = arith.muli %arg1, %mul3A : i32
    %add3A = arith.addi %mul3A_0, %arg0 : i32
    %mul3A_1 = arith.constant 1024 : i32
    %mul3A_2 = arith.muli %add3A, %mul3A_1 : i32
    %rem3A = arith.constant 2048 : i32
    %rem3A_3 = arith.remsi %mul3A_2, %rem3A : i32
    %mul3A_4 = arith.constant 8 : i32
    %mul3A_5 = arith.muli %add3A, %mul3A_4 : i32
    %multiple_of3A = tpu.assume_multiple %mul3A_5, 8 : i32
    "tpu.region"() ({
      %run_scoped3A = tpu.sem_alloc : memref<!tpu.dma_semaphore, #tpu.memory_space<semaphore_mem>>
      %dma_start3A_336 = arith.constant 0 : i32
      %dma_start3A_337 = tpu.memref_slice %arg2[%multiple_of3A, %dma_start3A_336] : memref<256x128xi32, #tpu.memory_space<hbm>> -> memref<8x128xi32, #tpu.memory_space<hbm>>
      %dma_start3A_338 = arith.constant 0 : i32
      %dma_start3A_339 = tpu.memref_slice %arg2[%multiple_of3A, %dma_start3A_338] : memref<256x128xi32, #tpu.memory_space<hbm>> -> memref<8x128xi32, #tpu.memory_space<hbm>>
      tpu.enqueue_dma source(%dma_start3A_339 : memref<8x128xi32, #tpu.memory_space<hbm>>) target(%arg6 : memref<8x128xi32, #tpu.memory_space<vmem>>) target_semaphore(%run_scoped3A : memref<!tpu.dma_semaphore, #tpu.memory_space<semaphore_mem>>)
      %dma_wait3A_340 = arith.constant 0 : i32
      %dma_wait3A_341 = tpu.memref_slice %arg2[%multiple_of3A, %dma_wait3A_340] : memref<256x128xi32, #tpu.memory_space<hbm>> -> memref<8x128xi32, #tpu.memory_space<hbm>>
      %dma_wait3A_342 = arith.constant 0 : i32
      %dma_wait3A_343 = tpu.memref_slice %arg2[%multiple_of3A, %dma_wait3A_342] : memref<256x128xi32, #tpu.memory_space<hbm>> -> memref<8x128xi32, #tpu.memory_space<hbm>>
      tpu.wait_dma2 semaphore(%run_scoped3A : memref<!tpu.dma_semaphore, #tpu.memory_space<semaphore_mem>>) src(%dma_wait3A_343 : memref<8x128xi32, #tpu.memory_space<hbm>>) dst(%arg6 : memref<8x128xi32, #tpu.memory_space<vmem>>)
      tpu.yield
    }) : () -> ()
    %dma_start3A = arith.constant 0 : i32
    %dma_start3A_6 = arith.constant 0 : i32
    %dma_start3A_7 = arith.constant 0 : i32
    %dma_start3A_8 = tpu.memref_slice %arg7[%dma_start3A_6, %dma_start3A_7] : memref<1024x64xf32, #tpu.memory_space<vmem>> -> memref<128x64xf32, #tpu.memory_space<vmem>>
    %dma_start3A_9 = arith.constant 0 : i32
    %dma_start3A_10 = tpu.memref_slice %arg6[%dma_start3A, %dma_start3A_9] : memref<8x128xi32, #tpu.memory_space<vmem>> -> memref<1x128xi32, #tpu.memory_space<vmem>>
    %dma_start3A_11 = tpu.memref_squeeze %dma_start3A_10 : memref<1x128xi32, #tpu.memory_space<vmem>> -> memref<128xi32, #tpu.memory_space<vmem>>
    %dma_start3A_12 = arith.constant 0 : i32
    %dma_start3A_13 = arith.constant 0 : i32
    %dma_start3A_14 = tpu.memref_slice %arg3[%dma_start3A_12, %dma_start3A_13] : memref<100000x64xf32, #tpu.memory_space<hbm>> -> memref<100000x64xf32, #tpu.memory_space<hbm>>
    tpu.enqueue_indirect_dma source(%dma_start3A_14 : memref<100000x64xf32, #tpu.memory_space<hbm>>) target(%dma_start3A_8 : memref<128x64xf32, #tpu.memory_space<vmem>>) offsets(%dma_start3A_11 : memref<128xi32, #tpu.memory_space<vmem>>) semaphore(%arg10 : memref<!tpu.dma_semaphore, #tpu.memory_space<semaphore_mem>>)
    %dma_start3A_15 = arith.constant 1 : i32
    %dma_start3A_16 = arith.constant 128 : i32
    %dma_start3A_17 = arith.constant 0 : i32
    %dma_start3A_18 = tpu.memref_slice %arg7[%dma_start3A_16, %dma_start3A_17] : memref<1024x64xf32, #tpu.memory_space<vmem>> -> memref<128x64xf32, #tpu.memory_space<vmem>>
    %dma_start3A_19 = arith.constant 0 : i32
    %dma_start3A_20 = tpu.memref_slice %arg6[%dma_start3A_15, %dma_start3A_19] : memref<8x128xi32, #tpu.memory_space<vmem>> -> memref<1x128xi32, #tpu.memory_space<vmem>>
    %dma_start3A_21 = tpu.memref_squeeze %dma_start3A_20 : memref<1x128xi32, #tpu.memory_space<vmem>> -> memref<128xi32, #tpu.memory_space<vmem>>
    %dma_start3A_22 = arith.constant 0 : i32
    %dma_start3A_23 = arith.constant 0 : i32
    %dma_start3A_24 = tpu.memref_slice %arg3[%dma_start3A_22, %dma_start3A_23] : memref<100000x64xf32, #tpu.memory_space<hbm>> -> memref<100000x64xf32, #tpu.memory_space<hbm>>
    tpu.enqueue_indirect_dma source(%dma_start3A_24 : memref<100000x64xf32, #tpu.memory_space<hbm>>) target(%dma_start3A_18 : memref<128x64xf32, #tpu.memory_space<vmem>>) offsets(%dma_start3A_21 : memref<128xi32, #tpu.memory_space<vmem>>) semaphore(%arg10 : memref<!tpu.dma_semaphore, #tpu.memory_space<semaphore_mem>>)
    %dma_start3A_25 = arith.constant 2 : i32
    %dma_start3A_26 = arith.constant 256 : i32
    %dma_start3A_27 = arith.constant 0 : i32
    %dma_start3A_28 = tpu.memref_slice %arg7[%dma_start3A_26, %dma_start3A_27] : memref<1024x64xf32, #tpu.memory_space<vmem>> -> memref<128x64xf32, #tpu.memory_space<vmem>>
    %dma_start3A_29 = arith.constant 0 : i32
    %dma_start3A_30 = tpu.memref_slice %arg6[%dma_start3A_25, %dma_start3A_29] : memref<8x128xi32, #tpu.memory_space<vmem>> -> memref<1x128xi32, #tpu.memory_space<vmem>>
    %dma_start3A_31 = tpu.memref_squeeze %dma_start3A_30 : memref<1x128xi32, #tpu.memory_space<vmem>> -> memref<128xi32, #tpu.memory_space<vmem>>
    %dma_start3A_32 = arith.constant 0 : i32
    %dma_start3A_33 = arith.constant 0 : i32
    %dma_start3A_34 = tpu.memref_slice %arg3[%dma_start3A_32, %dma_start3A_33] : memref<100000x64xf32, #tpu.memory_space<hbm>> -> memref<100000x64xf32, #tpu.memory_space<hbm>>
    tpu.enqueue_indirect_dma source(%dma_start3A_34 : memref<100000x64xf32, #tpu.memory_space<hbm>>) target(%dma_start3A_28 : memref<128x64xf32, #tpu.memory_space<vmem>>) offsets(%dma_start3A_31 : memref<128xi32, #tpu.memory_space<vmem>>) semaphore(%arg10 : memref<!tpu.dma_semaphore, #tpu.memory_space<semaphore_mem>>)
    %dma_start3A_35 = arith.constant 3 : i32
    %dma_start3A_36 = arith.constant 384 : i32
    %dma_start3A_37 = arith.constant 0 : i32
    %dma_start3A_38 = tpu.memref_slice %arg7[%dma_start3A_36, %dma_start3A_37] : memref<1024x64xf32, #tpu.memory_space<vmem>> -> memref<128x64xf32, #tpu.memory_space<vmem>>
    %dma_start3A_39 = arith.constant 0 : i32
    %dma_start3A_40 = tpu.memref_slice %arg6[%dma_start3A_35, %dma_start3A_39] : memref<8x128xi32, #tpu.memory_space<vmem>> -> memref<1x128xi32, #tpu.memory_space<vmem>>
    %dma_start3A_41 = tpu.memref_squeeze %dma_start3A_40 : memref<1x128xi32, #tpu.memory_space<vmem>> -> memref<128xi32, #tpu.memory_space<vmem>>
    %dma_start3A_42 = arith.constant 0 : i32
    %dma_start3A_43 = arith.constant 0 : i32
    %dma_start3A_44 = tpu.memref_slice %arg3[%dma_start3A_42, %dma_start3A_43] : memref<100000x64xf32, #tpu.memory_space<hbm>> -> memref<100000x64xf32, #tpu.memory_space<hbm>>
    tpu.enqueue_indirect_dma source(%dma_start3A_44 : memref<100000x64xf32, #tpu.memory_space<hbm>>) target(%dma_start3A_38 : memref<128x64xf32, #tpu.memory_space<vmem>>) offsets(%dma_start3A_41 : memref<128xi32, #tpu.memory_space<vmem>>) semaphore(%arg10 : memref<!tpu.dma_semaphore, #tpu.memory_space<semaphore_mem>>)
    %dma_start3A_45 = arith.constant 4 : i32
    %dma_start3A_46 = arith.constant 512 : i32
    %dma_start3A_47 = arith.constant 0 : i32
    %dma_start3A_48 = tpu.memref_slice %arg7[%dma_start3A_46, %dma_start3A_47] : memref<1024x64xf32, #tpu.memory_space<vmem>> -> memref<128x64xf32, #tpu.memory_space<vmem>>
    %dma_start3A_49 = arith.constant 0 : i32
    %dma_start3A_50 = tpu.memref_slice %arg6[%dma_start3A_45, %dma_start3A_49] : memref<8x128xi32, #tpu.memory_space<vmem>> -> memref<1x128xi32, #tpu.memory_space<vmem>>
    %dma_start3A_51 = tpu.memref_squeeze %dma_start3A_50 : memref<1x128xi32, #tpu.memory_space<vmem>> -> memref<128xi32, #tpu.memory_space<vmem>>
    %dma_start3A_52 = arith.constant 0 : i32
    %dma_start3A_53 = arith.constant 0 : i32
    %dma_start3A_54 = tpu.memref_slice %arg3[%dma_start3A_52, %dma_start3A_53] : memref<100000x64xf32, #tpu.memory_space<hbm>> -> memref<100000x64xf32, #tpu.memory_space<hbm>>
    tpu.enqueue_indirect_dma source(%dma_start3A_54 : memref<100000x64xf32, #tpu.memory_space<hbm>>) target(%dma_start3A_48 : memref<128x64xf32, #tpu.memory_space<vmem>>) offsets(%dma_start3A_51 : memref<128xi32, #tpu.memory_space<vmem>>) semaphore(%arg10 : memref<!tpu.dma_semaphore, #tpu.memory_space<semaphore_mem>>)
    %dma_start3A_55 = arith.constant 5 : i32
    %dma_start3A_56 = arith.constant 640 : i32
    %dma_start3A_57 = arith.constant 0 : i32
    %dma_start3A_58 = tpu.memref_slice %arg7[%dma_start3A_56, %dma_start3A_57] : memref<1024x64xf32, #tpu.memory_space<vmem>> -> memref<128x64xf32, #tpu.memory_space<vmem>>
    %dma_start3A_59 = arith.constant 0 : i32
    %dma_start3A_60 = tpu.memref_slice %arg6[%dma_start3A_55, %dma_start3A_59] : memref<8x128xi32, #tpu.memory_space<vmem>> -> memref<1x128xi32, #tpu.memory_space<vmem>>
    %dma_start3A_61 = tpu.memref_squeeze %dma_start3A_60 : memref<1x128xi32, #tpu.memory_space<vmem>> -> memref<128xi32, #tpu.memory_space<vmem>>
    %dma_start3A_62 = arith.constant 0 : i32
    %dma_start3A_63 = arith.constant 0 : i32
    %dma_start3A_64 = tpu.memref_slice %arg3[%dma_start3A_62, %dma_start3A_63] : memref<100000x64xf32, #tpu.memory_space<hbm>> -> memref<100000x64xf32, #tpu.memory_space<hbm>>
    tpu.enqueue_indirect_dma source(%dma_start3A_64 : memref<100000x64xf32, #tpu.memory_space<hbm>>) target(%dma_start3A_58 : memref<128x64xf32, #tpu.memory_space<vmem>>) offsets(%dma_start3A_61 : memref<128xi32, #tpu.memory_space<vmem>>) semaphore(%arg10 : memref<!tpu.dma_semaphore, #tpu.memory_space<semaphore_mem>>)
    %dma_start3A_65 = arith.constant 6 : i32
    %dma_start3A_66 = arith.constant 768 : i32
    %dma_start3A_67 = arith.constant 0 : i32
    %dma_start3A_68 = tpu.memref_slice %arg7[%dma_start3A_66, %dma_start3A_67] : memref<1024x64xf32, #tpu.memory_space<vmem>> -> memref<128x64xf32, #tpu.memory_space<vmem>>
    %dma_start3A_69 = arith.constant 0 : i32
    %dma_start3A_70 = tpu.memref_slice %arg6[%dma_start3A_65, %dma_start3A_69] : memref<8x128xi32, #tpu.memory_space<vmem>> -> memref<1x128xi32, #tpu.memory_space<vmem>>
    %dma_start3A_71 = tpu.memref_squeeze %dma_start3A_70 : memref<1x128xi32, #tpu.memory_space<vmem>> -> memref<128xi32, #tpu.memory_space<vmem>>
    %dma_start3A_72 = arith.constant 0 : i32
    %dma_start3A_73 = arith.constant 0 : i32
    %dma_start3A_74 = tpu.memref_slice %arg3[%dma_start3A_72, %dma_start3A_73] : memref<100000x64xf32, #tpu.memory_space<hbm>> -> memref<100000x64xf32, #tpu.memory_space<hbm>>
    tpu.enqueue_indirect_dma source(%dma_start3A_74 : memref<100000x64xf32, #tpu.memory_space<hbm>>) target(%dma_start3A_68 : memref<128x64xf32, #tpu.memory_space<vmem>>) offsets(%dma_start3A_71 : memref<128xi32, #tpu.memory_space<vmem>>) semaphore(%arg10 : memref<!tpu.dma_semaphore, #tpu.memory_space<semaphore_mem>>)
    %dma_start3A_75 = arith.constant 7 : i32
    %dma_start3A_76 = arith.constant 896 : i32
    %dma_start3A_77 = arith.constant 0 : i32
    %dma_start3A_78 = tpu.memref_slice %arg7[%dma_start3A_76, %dma_start3A_77] : memref<1024x64xf32, #tpu.memory_space<vmem>> -> memref<128x64xf32, #tpu.memory_space<vmem>>
    %dma_start3A_79 = arith.constant 0 : i32
    %dma_start3A_80 = tpu.memref_slice %arg6[%dma_start3A_75, %dma_start3A_79] : memref<8x128xi32, #tpu.memory_space<vmem>> -> memref<1x128xi32, #tpu.memory_space<vmem>>
    %dma_start3A_81 = tpu.memref_squeeze %dma_start3A_80 : memref<1x128xi32, #tpu.memory_space<vmem>> -> memref<128xi32, #tpu.memory_space<vmem>>
    %dma_start3A_82 = arith.constant 0 : i32
    %dma_start3A_83 = arith.constant 0 : i32
    %dma_start3A_84 = tpu.memref_slice %arg3[%dma_start3A_82, %dma_start3A_83] : memref<100000x64xf32, #tpu.memory_space<hbm>> -> memref<100000x64xf32, #tpu.memory_space<hbm>>
    tpu.enqueue_indirect_dma source(%dma_start3A_84 : memref<100000x64xf32, #tpu.memory_space<hbm>>) target(%dma_start3A_78 : memref<128x64xf32, #tpu.memory_space<vmem>>) offsets(%dma_start3A_81 : memref<128xi32, #tpu.memory_space<vmem>>) semaphore(%arg10 : memref<!tpu.dma_semaphore, #tpu.memory_space<semaphore_mem>>)
    %add3A_85 = arith.constant 0 : i32
    %add3A_86 = arith.addi %rem3A_3, %add3A_85 : i32
    %multiple_of3A_87 = tpu.assume_multiple %add3A_86, 8 : i32
    "tpu.region"() ({
      %run_scoped3A = tpu.sem_alloc : memref<!tpu.dma_semaphore, #tpu.memory_space<semaphore_mem>>
      %dma_start3A_336 = arith.constant 0 : i32
      %dma_start3A_337 = tpu.memref_slice %arg4[%multiple_of3A_87, %dma_start3A_336] : memref<2048x64xf32, #tpu.memory_space<hbm>> -> memref<256x64xf32, #tpu.memory_space<hbm>>
      %dma_start3A_338 = arith.constant 0 : i32
      %dma_start3A_339 = tpu.memref_slice %arg4[%multiple_of3A_87, %dma_start3A_338] : memref<2048x64xf32, #tpu.memory_space<hbm>> -> memref<256x64xf32, #tpu.memory_space<hbm>>
      tpu.enqueue_dma source(%dma_start3A_339 : memref<256x64xf32, #tpu.memory_space<hbm>>) target(%arg8 : memref<256x64xf32, #tpu.memory_space<vmem>>) target_semaphore(%run_scoped3A : memref<!tpu.dma_semaphore, #tpu.memory_space<semaphore_mem>>)
      %dma_wait3A_340 = arith.constant 0 : i32
      %dma_wait3A_341 = tpu.memref_slice %arg4[%multiple_of3A_87, %dma_wait3A_340] : memref<2048x64xf32, #tpu.memory_space<hbm>> -> memref<256x64xf32, #tpu.memory_space<hbm>>
      %dma_wait3A_342 = arith.constant 0 : i32
      %dma_wait3A_343 = tpu.memref_slice %arg4[%multiple_of3A_87, %dma_wait3A_342] : memref<2048x64xf32, #tpu.memory_space<hbm>> -> memref<256x64xf32, #tpu.memory_space<hbm>>
      tpu.wait_dma2 semaphore(%run_scoped3A : memref<!tpu.dma_semaphore, #tpu.memory_space<semaphore_mem>>) src(%dma_wait3A_343 : memref<256x64xf32, #tpu.memory_space<hbm>>) dst(%arg8 : memref<256x64xf32, #tpu.memory_space<vmem>>)
      tpu.yield
    }) : () -> ()
    %dma_wait3A = arith.constant 0 : i32
    %dma_wait3A_88 = arith.constant 0 : i32
    %dma_wait3A_89 = arith.constant 0 : i32
    %dma_wait3A_90 = tpu.memref_slice %arg7[%dma_wait3A_88, %dma_wait3A_89] : memref<1024x64xf32, #tpu.memory_space<vmem>> -> memref<128x64xf32, #tpu.memory_space<vmem>>
    %dma_wait3A_91 = arith.constant 0 : i32
    %dma_wait3A_92 = tpu.memref_slice %arg6[%dma_wait3A, %dma_wait3A_91] : memref<8x128xi32, #tpu.memory_space<vmem>> -> memref<1x128xi32, #tpu.memory_space<vmem>>
    %dma_wait3A_93 = tpu.memref_squeeze %dma_wait3A_92 : memref<1x128xi32, #tpu.memory_space<vmem>> -> memref<128xi32, #tpu.memory_space<vmem>>
    %dma_wait3A_94 = arith.constant 0 : i32
    %dma_wait3A_95 = arith.constant 0 : i32
    %dma_wait3A_96 = tpu.memref_slice %arg3[%dma_wait3A_94, %dma_wait3A_95] : memref<100000x64xf32, #tpu.memory_space<hbm>> -> memref<100000x64xf32, #tpu.memory_space<hbm>>
    tpu.wait_indirect_dma semaphore(%arg10 : memref<!tpu.dma_semaphore, #tpu.memory_space<semaphore_mem>>) src(%dma_wait3A_96 : memref<100000x64xf32, #tpu.memory_space<hbm>>) dst(%dma_wait3A_90 : memref<128x64xf32, #tpu.memory_space<vmem>>)
    %dma_wait3A_97 = arith.constant 1 : i32
    %dma_wait3A_98 = arith.constant 128 : i32
    %dma_wait3A_99 = arith.constant 0 : i32
    %dma_wait3A_100 = tpu.memref_slice %arg7[%dma_wait3A_98, %dma_wait3A_99] : memref<1024x64xf32, #tpu.memory_space<vmem>> -> memref<128x64xf32, #tpu.memory_space<vmem>>
    %dma_wait3A_101 = arith.constant 0 : i32
    %dma_wait3A_102 = tpu.memref_slice %arg6[%dma_wait3A_97, %dma_wait3A_101] : memref<8x128xi32, #tpu.memory_space<vmem>> -> memref<1x128xi32, #tpu.memory_space<vmem>>
    %dma_wait3A_103 = tpu.memref_squeeze %dma_wait3A_102 : memref<1x128xi32, #tpu.memory_space<vmem>> -> memref<128xi32, #tpu.memory_space<vmem>>
    %dma_wait3A_104 = arith.constant 0 : i32
    %dma_wait3A_105 = arith.constant 0 : i32
    %dma_wait3A_106 = tpu.memref_slice %arg3[%dma_wait3A_104, %dma_wait3A_105] : memref<100000x64xf32, #tpu.memory_space<hbm>> -> memref<100000x64xf32, #tpu.memory_space<hbm>>
    tpu.wait_indirect_dma semaphore(%arg10 : memref<!tpu.dma_semaphore, #tpu.memory_space<semaphore_mem>>) src(%dma_wait3A_106 : memref<100000x64xf32, #tpu.memory_space<hbm>>) dst(%dma_wait3A_100 : memref<128x64xf32, #tpu.memory_space<vmem>>)
    %parallel_loop3A = arith.constant 0 : i32
    %parallel_loop3A_107 = arith.constant 256 : i32
    %parallel_loop3A_108 = arith.constant 1 : i32
    scf.for %parallel_loop3A_336 = %parallel_loop3A to %parallel_loop3A_107 step %parallel_loop3A_108  : i32 {
      %parallel_loop3A_337 = arith.index_cast %parallel_loop3A_336 : i32 to index
      %parallel_loop3A_338 = arith.constant 0 : index
      %parallel_loop3A_339 = tpu.vector_load %arg8[%parallel_loop3A_337, %parallel_loop3A_338] {strides = array<i32>} : memref<256x64xf32, #tpu.memory_space<vmem>>, vector<1x16xf32>,
      %parallel_loop3A_340 = vector.shape_cast %parallel_loop3A_339 : vector<1x16xf32> to vector<16xf32>
      %parallel_loop3A_341 = arith.constant 0 : i32
      %parallel_loop3A_342 = arith.addi %parallel_loop3A_341, %parallel_loop3A_336 : i32
      %parallel_loop3A_343 = arith.index_cast %parallel_loop3A_342 : i32 to index
      %parallel_loop3A_344 = arith.constant 0 : index
      %parallel_loop3A_345 = tpu.vector_load %arg7[%parallel_loop3A_343, %parallel_loop3A_344] {strides = array<i32>} : memref<1024x64xf32, #tpu.memory_space<vmem>>, vector<1x16xf32>,
      %parallel_loop3A_346 = vector.shape_cast %parallel_loop3A_345 : vector<1x16xf32> to vector<16xf32>
      %parallel_loop3A_347 = arith.addf %parallel_loop3A_340, %parallel_loop3A_346 : vector<16xf32>
      %parallel_loop3A_348 = arith.index_cast %parallel_loop3A_336 : i32 to index
      %parallel_loop3A_349 = arith.constant 0 : index
      %parallel_loop3A_350 = tpu.vector_load %arg8[%parallel_loop3A_348, %parallel_loop3A_349] {strides = array<i32>} : memref<256x64xf32, #tpu.memory_space<vmem>>, vector<1x16xf32>,
      %parallel_loop3A_351 = vector.shape_cast %parallel_loop3A_350 : vector<1x16xf32> to vector<16xf32>
      %parallel_loop3A_352 = vector.shape_cast %parallel_loop3A_347 : vector<16xf32> to vector<1x16xf32>
      tpu.vector_store %arg8[%parallel_loop3A_348, %parallel_loop3A_349], %parallel_loop3A_352 {strides = array<i32>} : memref<256x64xf32, #tpu.memory_space<vmem>>, vector<1x16xf32>,
      %parallel_loop3A_353 = arith.index_cast %parallel_loop3A_336 : i32 to index
      %parallel_loop3A_354 = arith.constant 16 : index
      %parallel_loop3A_355 = tpu.vector_load %arg8[%parallel_loop3A_353, %parallel_loop3A_354] {strides = array<i32>} : memref<256x64xf32, #tpu.memory_space<vmem>>, vector<1x16xf32>,
      %parallel_loop3A_356 = vector.shape_cast %parallel_loop3A_355 : vector<1x16xf32> to vector<16xf32>
      %parallel_loop3A_357 = arith.constant 0 : i32
      %parallel_loop3A_358 = arith.addi %parallel_loop3A_357, %parallel_loop3A_336 : i32
      %parallel_loop3A_359 = arith.index_cast %parallel_loop3A_358 : i32 to index
      %parallel_loop3A_360 = arith.constant 16 : index
      %parallel_loop3A_361 = tpu.vector_load %arg7[%parallel_loop3A_359, %parallel_loop3A_360] {strides = array<i32>} : memref<1024x64xf32, #tpu.memory_space<vmem>>, vector<1x16xf32>,
      %parallel_loop3A_362 = vector.shape_cast %parallel_loop3A_361 : vector<1x16xf32> to vector<16xf32>
      %parallel_loop3A_363 = arith.addf %parallel_loop3A_356, %parallel_loop3A_362 : vector<16xf32>
      %parallel_loop3A_364 = arith.index_cast %parallel_loop3A_336 : i32 to index
      %parallel_loop3A_365 = arith.constant 16 : index
      %parallel_loop3A_366 = tpu.vector_load %arg8[%parallel_loop3A_364, %parallel_loop3A_365] {strides = array<i32>} : memref<256x64xf32, #tpu.memory_space<vmem>>, vector<1x16xf32>,
      %parallel_loop3A_367 = vector.shape_cast %parallel_loop3A_366 : vector<1x16xf32> to vector<16xf32>
      %parallel_loop3A_368 = vector.shape_cast %parallel_loop3A_363 : vector<16xf32> to vector<1x16xf32>
      tpu.vector_store %arg8[%parallel_loop3A_364, %parallel_loop3A_365], %parallel_loop3A_368 {strides = array<i32>} : memref<256x64xf32, #tpu.memory_space<vmem>>, vector<1x16xf32>,
      %parallel_loop3A_369 = arith.index_cast %parallel_loop3A_336 : i32 to index
      %parallel_loop3A_370 = arith.constant 32 : index
      %parallel_loop3A_371 = tpu.vector_load %arg8[%parallel_loop3A_369, %parallel_loop3A_370] {strides = array<i32>} : memref<256x64xf32, #tpu.memory_space<vmem>>, vector<1x16xf32>,
      %parallel_loop3A_372 = vector.shape_cast %parallel_loop3A_371 : vector<1x16xf32> to vector<16xf32>
      %parallel_loop3A_373 = arith.constant 0 : i32
      %parallel_loop3A_374 = arith.addi %parallel_loop3A_373, %parallel_loop3A_336 : i32
      %parallel_loop3A_375 = arith.index_cast %parallel_loop3A_374 : i32 to index
      %parallel_loop3A_376 = arith.constant 32 : index
      %parallel_loop3A_377 = tpu.vector_load %arg7[%parallel_loop3A_375, %parallel_loop3A_376] {strides = array<i32>} : memref<1024x64xf32, #tpu.memory_space<vmem>>, vector<1x16xf32>,
      %parallel_loop3A_378 = vector.shape_cast %parallel_loop3A_377 : vector<1x16xf32> to vector<16xf32>
      %parallel_loop3A_379 = arith.addf %parallel_loop3A_372, %parallel_loop3A_378 : vector<16xf32>
      %parallel_loop3A_380 = arith.index_cast %parallel_loop3A_336 : i32 to index
      %parallel_loop3A_381 = arith.constant 32 : index
      %parallel_loop3A_382 = tpu.vector_load %arg8[%parallel_loop3A_380, %parallel_loop3A_381] {strides = array<i32>} : memref<256x64xf32, #tpu.memory_space<vmem>>, vector<1x16xf32>,
      %parallel_loop3A_383 = vector.shape_cast %parallel_loop3A_382 : vector<1x16xf32> to vector<16xf32>
      %parallel_loop3A_384 = vector.shape_cast %parallel_loop3A_379 : vector<16xf32> to vector<1x16xf32>
      tpu.vector_store %arg8[%parallel_loop3A_380, %parallel_loop3A_381], %parallel_loop3A_384 {strides = array<i32>} : memref<256x64xf32, #tpu.memory_space<vmem>>, vector<1x16xf32>,
      %parallel_loop3A_385 = arith.index_cast %parallel_loop3A_336 : i32 to index
      %parallel_loop3A_386 = arith.constant 48 : index
      %parallel_loop3A_387 = tpu.vector_load %arg8[%parallel_loop3A_385, %parallel_loop3A_386] {strides = array<i32>} : memref<256x64xf32, #tpu.memory_space<vmem>>, vector<1x16xf32>,
      %parallel_loop3A_388 = vector.shape_cast %parallel_loop3A_387 : vector<1x16xf32> to vector<16xf32>
      %parallel_loop3A_389 = arith.constant 0 : i32
      %parallel_loop3A_390 = arith.addi %parallel_loop3A_389, %parallel_loop3A_336 : i32
      %parallel_loop3A_391 = arith.index_cast %parallel_loop3A_390 : i32 to index
      %parallel_loop3A_392 = arith.constant 48 : index
      %parallel_loop3A_393 = tpu.vector_load %arg7[%parallel_loop3A_391, %parallel_loop3A_392] {strides = array<i32>} : memref<1024x64xf32, #tpu.memory_space<vmem>>, vector<1x16xf32>,
      %parallel_loop3A_394 = vector.shape_cast %parallel_loop3A_393 : vector<1x16xf32> to vector<16xf32>
      %parallel_loop3A_395 = arith.addf %parallel_loop3A_388, %parallel_loop3A_394 : vector<16xf32>
      %parallel_loop3A_396 = arith.index_cast %parallel_loop3A_336 : i32 to index
      %parallel_loop3A_397 = arith.constant 48 : index
      %parallel_loop3A_398 = tpu.vector_load %arg8[%parallel_loop3A_396, %parallel_loop3A_397] {strides = array<i32>} : memref<256x64xf32, #tpu.memory_space<vmem>>, vector<1x16xf32>,
      %parallel_loop3A_399 = vector.shape_cast %parallel_loop3A_398 : vector<1x16xf32> to vector<16xf32>
      %parallel_loop3A_400 = vector.shape_cast %parallel_loop3A_395 : vector<16xf32> to vector<1x16xf32>
      tpu.vector_store %arg8[%parallel_loop3A_396, %parallel_loop3A_397], %parallel_loop3A_400 {strides = array<i32>} : memref<256x64xf32, #tpu.memory_space<vmem>>, vector<1x16xf32>,
    } {sc.loop_unroll_factor = 8 : i64, sc.parallel_access}
    %jit3A = arith.constant 2048 : i32
    %div3A = arith.divsi %mul3A_2, %jit3A : i32
    %sign3A = arith.constant 0 : i32
    %sign3A_109 = arith.cmpi sgt, %mul3A_2, %sign3A : i32
    %sign3A_110 = arith.extui %sign3A_109 : i1 to i32
    %sign3A_111 = arith.constant 0 : i32
    %sign3A_112 = arith.cmpi slt, %mul3A_2, %sign3A_111 : i32
    %sign3A_113 = arith.extui %sign3A_112 : i1 to i32
    %sign3A_114 = arith.subi %sign3A_110, %sign3A_113 : i32
    %sign3A_115 = arith.constant 0 : i32
    %sign3A_116 = arith.cmpi sgt, %jit3A, %sign3A_115 : i32
    %sign3A_117 = arith.extui %sign3A_116 : i1 to i32
    %sign3A_118 = arith.constant 0 : i32
    %sign3A_119 = arith.cmpi slt, %jit3A, %sign3A_118 : i32
    %sign3A_120 = arith.extui %sign3A_119 : i1 to i32
    %sign3A_121 = arith.subi %sign3A_117, %sign3A_120 : i32
    %ne3A = arith.cmpi ne, %sign3A_114, %sign3A_121 : i32
    %rem3A_122 = arith.remsi %mul3A_2, %jit3A : i32
    %ne3A_123 = arith.constant 0 : i32
    %ne3A_124 = arith.cmpi ne, %rem3A_122, %ne3A_123 : i32
    %and3A = arith.andi %ne3A, %ne3A_124 : i1
    %sub3A = arith.constant 1 : i32
    %sub3A_125 = arith.subi %div3A, %sub3A : i32
    %select_n3A = arith.select %and3A, %sub3A_125, %div3A : i32
    %add3A_126 = arith.constant 0 : i32
    %add3A_127 = arith.addi %rem3A_3, %add3A_126 : i32
    %multiple_of3A_128 = tpu.assume_multiple %add3A_127, 8 : i32
    %dma_start3A_129 = arith.constant 0 : i32
    %dma_start3A_130 = tpu.memref_slice %arg5[%select_n3A, %multiple_of3A_128, %dma_start3A_129] : memref<16x2048x64xf32, #tpu.memory_space<hbm>> -> memref<1x256x64xf32, #tpu.memory_space<hbm>>
    %dma_start3A_131 = tpu.memref_squeeze %dma_start3A_130 : memref<1x256x64xf32, #tpu.memory_space<hbm>> -> memref<256x64xf32, #tpu.memory_space<hbm>>
    %dma_start3A_132 = arith.constant 0 : i32
    %dma_start3A_133 = tpu.memref_slice %arg5[%select_n3A, %multiple_of3A_128, %dma_start3A_132] : memref<16x2048x64xf32, #tpu.memory_space<hbm>> -> memref<1x256x64xf32, #tpu.memory_space<hbm>>
    %dma_start3A_134 = tpu.memref_squeeze %dma_start3A_133 : memref<1x256x64xf32, #tpu.memory_space<hbm>> -> memref<256x64xf32, #tpu.memory_space<hbm>>
    tpu.enqueue_dma source(%arg8 : memref<256x64xf32, #tpu.memory_space<vmem>>) target(%dma_start3A_134 : memref<256x64xf32, #tpu.memory_space<hbm>>) target_semaphore(%arg11 : memref<!tpu.dma_semaphore, #tpu.memory_space<semaphore_mem>>)
    %add3A_135 = arith.constant 256 : i32
    %add3A_136 = arith.addi %rem3A_3, %add3A_135 : i32
    %multiple_of3A_137 = tpu.assume_multiple %add3A_136, 8 : i32
    "tpu.region"() ({
      %run_scoped3A = tpu.sem_alloc : memref<!tpu.dma_semaphore, #tpu.memory_space<semaphore_mem>>
      %dma_start3A_336 = arith.constant 0 : i32
      %dma_start3A_337 = tpu.memref_slice %arg4[%multiple_of3A_137, %dma_start3A_336] : memref<2048x64xf32, #tpu.memory_space<hbm>> -> memref<256x64xf32, #tpu.memory_space<hbm>>
      %dma_start3A_338 = arith.constant 0 : i32
      %dma_start3A_339 = tpu.memref_slice %arg4[%multiple_of3A_137, %dma_start3A_338] : memref<2048x64xf32, #tpu.memory_space<hbm>> -> memref<256x64xf32, #tpu.memory_space<hbm>>
      tpu.enqueue_dma source(%dma_start3A_339 : memref<256x64xf32, #tpu.memory_space<hbm>>) target(%arg9 : memref<256x64xf32, #tpu.memory_space<vmem>>) target_semaphore(%run_scoped3A : memref<!tpu.dma_semaphore, #tpu.memory_space<semaphore_mem>>)
      %dma_wait3A_340 = arith.constant 0 : i32
      %dma_wait3A_341 = tpu.memref_slice %arg4[%multiple_of3A_137, %dma_wait3A_340] : memref<2048x64xf32, #tpu.memory_space<hbm>> -> memref<256x64xf32, #tpu.memory_space<hbm>>
      %dma_wait3A_342 = arith.constant 0 : i32
      %dma_wait3A_343 = tpu.memref_slice %arg4[%multiple_of3A_137, %dma_wait3A_342] : memref<2048x64xf32, #tpu.memory_space<hbm>> -> memref<256x64xf32, #tpu.memory_space<hbm>>
      tpu.wait_dma2 semaphore(%run_scoped3A : memref<!tpu.dma_semaphore, #tpu.memory_space<semaphore_mem>>) src(%dma_wait3A_343 : memref<256x64xf32, #tpu.memory_space<hbm>>) dst(%arg9 : memref<256x64xf32, #tpu.memory_space<vmem>>)
      tpu.yield
    }) : () -> ()
    %dma_wait3A_138 = arith.constant 2 : i32
    %dma_wait3A_139 = arith.constant 256 : i32
    %dma_wait3A_140 = arith.constant 0 : i32
    %dma_wait3A_141 = tpu.memref_slice %arg7[%dma_wait3A_139, %dma_wait3A_140] : memref<1024x64xf32, #tpu.memory_space<vmem>> -> memref<128x64xf32, #tpu.memory_space<vmem>>
    %dma_wait3A_142 = arith.constant 0 : i32
    %dma_wait3A_143 = tpu.memref_slice %arg6[%dma_wait3A_138, %dma_wait3A_142] : memref<8x128xi32, #tpu.memory_space<vmem>> -> memref<1x128xi32, #tpu.memory_space<vmem>>
    %dma_wait3A_144 = tpu.memref_squeeze %dma_wait3A_143 : memref<1x128xi32, #tpu.memory_space<vmem>> -> memref<128xi32, #tpu.memory_space<vmem>>
    %dma_wait3A_145 = arith.constant 0 : i32
    %dma_wait3A_146 = arith.constant 0 : i32
    %dma_wait3A_147 = tpu.memref_slice %arg3[%dma_wait3A_145, %dma_wait3A_146] : memref<100000x64xf32, #tpu.memory_space<hbm>> -> memref<100000x64xf32, #tpu.memory_space<hbm>>
    tpu.wait_indirect_dma semaphore(%arg10 : memref<!tpu.dma_semaphore, #tpu.memory_space<semaphore_mem>>) src(%dma_wait3A_147 : memref<100000x64xf32, #tpu.memory_space<hbm>>) dst(%dma_wait3A_141 : memref<128x64xf32, #tpu.memory_space<vmem>>)
    %dma_wait3A_148 = arith.constant 3 : i32
    %dma_wait3A_149 = arith.constant 384 : i32
    %dma_wait3A_150 = arith.constant 0 : i32
    %dma_wait3A_151 = tpu.memref_slice %arg7[%dma_wait3A_149, %dma_wait3A_150] : memref<1024x64xf32, #tpu.memory_space<vmem>> -> memref<128x64xf32, #tpu.memory_space<vmem>>
    %dma_wait3A_152 = arith.constant 0 : i32
    %dma_wait3A_153 = tpu.memref_slice %arg6[%dma_wait3A_148, %dma_wait3A_152] : memref<8x128xi32, #tpu.memory_space<vmem>> -> memref<1x128xi32, #tpu.memory_space<vmem>>
    %dma_wait3A_154 = tpu.memref_squeeze %dma_wait3A_153 : memref<1x128xi32, #tpu.memory_space<vmem>> -> memref<128xi32, #tpu.memory_space<vmem>>
    %dma_wait3A_155 = arith.constant 0 : i32
    %dma_wait3A_156 = arith.constant 0 : i32
    %dma_wait3A_157 = tpu.memref_slice %arg3[%dma_wait3A_155, %dma_wait3A_156] : memref<100000x64xf32, #tpu.memory_space<hbm>> -> memref<100000x64xf32, #tpu.memory_space<hbm>>
    tpu.wait_indirect_dma semaphore(%arg10 : memref<!tpu.dma_semaphore, #tpu.memory_space<semaphore_mem>>) src(%dma_wait3A_157 : memref<100000x64xf32, #tpu.memory_space<hbm>>) dst(%dma_wait3A_151 : memref<128x64xf32, #tpu.memory_space<vmem>>)
    %parallel_loop3A_158 = arith.constant 0 : i32
    %parallel_loop3A_159 = arith.constant 256 : i32
    %parallel_loop3A_160 = arith.constant 1 : i32
    scf.for %parallel_loop3A_336 = %parallel_loop3A_158 to %parallel_loop3A_159 step %parallel_loop3A_160  : i32 {
      %parallel_loop3A_337 = arith.index_cast %parallel_loop3A_336 : i32 to index
      %parallel_loop3A_338 = arith.constant 0 : index
      %parallel_loop3A_339 = tpu.vector_load %arg9[%parallel_loop3A_337, %parallel_loop3A_338] {strides = array<i32>} : memref<256x64xf32, #tpu.memory_space<vmem>>, vector<1x16xf32>,
      %parallel_loop3A_340 = vector.shape_cast %parallel_loop3A_339 : vector<1x16xf32> to vector<16xf32>
      %parallel_loop3A_341 = arith.constant 256 : i32
      %parallel_loop3A_342 = arith.addi %parallel_loop3A_341, %parallel_loop3A_336 : i32
      %parallel_loop3A_343 = arith.index_cast %parallel_loop3A_342 : i32 to index
      %parallel_loop3A_344 = arith.constant 0 : index
      %parallel_loop3A_345 = tpu.vector_load %arg7[%parallel_loop3A_343, %parallel_loop3A_344] {strides = array<i32>} : memref<1024x64xf32, #tpu.memory_space<vmem>>, vector<1x16xf32>,
      %parallel_loop3A_346 = vector.shape_cast %parallel_loop3A_345 : vector<1x16xf32> to vector<16xf32>
      %parallel_loop3A_347 = arith.addf %parallel_loop3A_340, %parallel_loop3A_346 : vector<16xf32>
      %parallel_loop3A_348 = arith.index_cast %parallel_loop3A_336 : i32 to index
      %parallel_loop3A_349 = arith.constant 0 : index
      %parallel_loop3A_350 = tpu.vector_load %arg9[%parallel_loop3A_348, %parallel_loop3A_349] {strides = array<i32>} : memref<256x64xf32, #tpu.memory_space<vmem>>, vector<1x16xf32>,
      %parallel_loop3A_351 = vector.shape_cast %parallel_loop3A_350 : vector<1x16xf32> to vector<16xf32>
      %parallel_loop3A_352 = vector.shape_cast %parallel_loop3A_347 : vector<16xf32> to vector<1x16xf32>
      tpu.vector_store %arg9[%parallel_loop3A_348, %parallel_loop3A_349], %parallel_loop3A_352 {strides = array<i32>} : memref<256x64xf32, #tpu.memory_space<vmem>>, vector<1x16xf32>,
      %parallel_loop3A_353 = arith.index_cast %parallel_loop3A_336 : i32 to index
      %parallel_loop3A_354 = arith.constant 16 : index
      %parallel_loop3A_355 = tpu.vector_load %arg9[%parallel_loop3A_353, %parallel_loop3A_354] {strides = array<i32>} : memref<256x64xf32, #tpu.memory_space<vmem>>, vector<1x16xf32>,
      %parallel_loop3A_356 = vector.shape_cast %parallel_loop3A_355 : vector<1x16xf32> to vector<16xf32>
      %parallel_loop3A_357 = arith.constant 256 : i32
      %parallel_loop3A_358 = arith.addi %parallel_loop3A_357, %parallel_loop3A_336 : i32
      %parallel_loop3A_359 = arith.index_cast %parallel_loop3A_358 : i32 to index
      %parallel_loop3A_360 = arith.constant 16 : index
      %parallel_loop3A_361 = tpu.vector_load %arg7[%parallel_loop3A_359, %parallel_loop3A_360] {strides = array<i32>} : memref<1024x64xf32, #tpu.memory_space<vmem>>, vector<1x16xf32>,
      %parallel_loop3A_362 = vector.shape_cast %parallel_loop3A_361 : vector<1x16xf32> to vector<16xf32>
      %parallel_loop3A_363 = arith.addf %parallel_loop3A_356, %parallel_loop3A_362 : vector<16xf32>
      %parallel_loop3A_364 = arith.index_cast %parallel_loop3A_336 : i32 to index
      %parallel_loop3A_365 = arith.constant 16 : index
      %parallel_loop3A_366 = tpu.vector_load %arg9[%parallel_loop3A_364, %parallel_loop3A_365] {strides = array<i32>} : memref<256x64xf32, #tpu.memory_space<vmem>>, vector<1x16xf32>,
      %parallel_loop3A_367 = vector.shape_cast %parallel_loop3A_366 : vector<1x16xf32> to vector<16xf32>
      %parallel_loop3A_368 = vector.shape_cast %parallel_loop3A_363 : vector<16xf32> to vector<1x16xf32>
      tpu.vector_store %arg9[%parallel_loop3A_364, %parallel_loop3A_365], %parallel_loop3A_368 {strides = array<i32>} : memref<256x64xf32, #tpu.memory_space<vmem>>, vector<1x16xf32>,
      %parallel_loop3A_369 = arith.index_cast %parallel_loop3A_336 : i32 to index
      %parallel_loop3A_370 = arith.constant 32 : index
      %parallel_loop3A_371 = tpu.vector_load %arg9[%parallel_loop3A_369, %parallel_loop3A_370] {strides = array<i32>} : memref<256x64xf32, #tpu.memory_space<vmem>>, vector<1x16xf32>,
      %parallel_loop3A_372 = vector.shape_cast %parallel_loop3A_371 : vector<1x16xf32> to vector<16xf32>
      %parallel_loop3A_373 = arith.constant 256 : i32
      %parallel_loop3A_374 = arith.addi %parallel_loop3A_373, %parallel_loop3A_336 : i32
      %parallel_loop3A_375 = arith.index_cast %parallel_loop3A_374 : i32 to index
      %parallel_loop3A_376 = arith.constant 32 : index
      %parallel_loop3A_377 = tpu.vector_load %arg7[%parallel_loop3A_375, %parallel_loop3A_376] {strides = array<i32>} : memref<1024x64xf32, #tpu.memory_space<vmem>>, vector<1x16xf32>,
      %parallel_loop3A_378 = vector.shape_cast %parallel_loop3A_377 : vector<1x16xf32> to vector<16xf32>
      %parallel_loop3A_379 = arith.addf %parallel_loop3A_372, %parallel_loop3A_378 : vector<16xf32>
      %parallel_loop3A_380 = arith.index_cast %parallel_loop3A_336 : i32 to index
      %parallel_loop3A_381 = arith.constant 32 : index
      %parallel_loop3A_382 = tpu.vector_load %arg9[%parallel_loop3A_380, %parallel_loop3A_381] {strides = array<i32>} : memref<256x64xf32, #tpu.memory_space<vmem>>, vector<1x16xf32>,
      %parallel_loop3A_383 = vector.shape_cast %parallel_loop3A_382 : vector<1x16xf32> to vector<16xf32>
      %parallel_loop3A_384 = vector.shape_cast %parallel_loop3A_379 : vector<16xf32> to vector<1x16xf32>
      tpu.vector_store %arg9[%parallel_loop3A_380, %parallel_loop3A_381], %parallel_loop3A_384 {strides = array<i32>} : memref<256x64xf32, #tpu.memory_space<vmem>>, vector<1x16xf32>,
      %parallel_loop3A_385 = arith.index_cast %parallel_loop3A_336 : i32 to index
      %parallel_loop3A_386 = arith.constant 48 : index
      %parallel_loop3A_387 = tpu.vector_load %arg9[%parallel_loop3A_385, %parallel_loop3A_386] {strides = array<i32>} : memref<256x64xf32, #tpu.memory_space<vmem>>, vector<1x16xf32>,
      %parallel_loop3A_388 = vector.shape_cast %parallel_loop3A_387 : vector<1x16xf32> to vector<16xf32>
      %parallel_loop3A_389 = arith.constant 256 : i32
      %parallel_loop3A_390 = arith.addi %parallel_loop3A_389, %parallel_loop3A_336 : i32
      %parallel_loop3A_391 = arith.index_cast %parallel_loop3A_390 : i32 to index
      %parallel_loop3A_392 = arith.constant 48 : index
      %parallel_loop3A_393 = tpu.vector_load %arg7[%parallel_loop3A_391, %parallel_loop3A_392] {strides = array<i32>} : memref<1024x64xf32, #tpu.memory_space<vmem>>, vector<1x16xf32>,
      %parallel_loop3A_394 = vector.shape_cast %parallel_loop3A_393 : vector<1x16xf32> to vector<16xf32>
      %parallel_loop3A_395 = arith.addf %parallel_loop3A_388, %parallel_loop3A_394 : vector<16xf32>
      %parallel_loop3A_396 = arith.index_cast %parallel_loop3A_336 : i32 to index
      %parallel_loop3A_397 = arith.constant 48 : index
      %parallel_loop3A_398 = tpu.vector_load %arg9[%parallel_loop3A_396, %parallel_loop3A_397] {strides = array<i32>} : memref<256x64xf32, #tpu.memory_space<vmem>>, vector<1x16xf32>,
      %parallel_loop3A_399 = vector.shape_cast %parallel_loop3A_398 : vector<1x16xf32> to vector<16xf32>
      %parallel_loop3A_400 = vector.shape_cast %parallel_loop3A_395 : vector<16xf32> to vector<1x16xf32>
      tpu.vector_store %arg9[%parallel_loop3A_396, %parallel_loop3A_397], %parallel_loop3A_400 {strides = array<i32>} : memref<256x64xf32, #tpu.memory_space<vmem>>, vector<1x16xf32>,
    } {sc.loop_unroll_factor = 8 : i64, sc.parallel_access}
    %jit3A_161 = arith.constant 2048 : i32
    %div3A_162 = arith.divsi %mul3A_2, %jit3A_161 : i32
    %sign3A_163 = arith.constant 0 : i32
    %sign3A_164 = arith.cmpi sgt, %mul3A_2, %sign3A_163 : i32
    %sign3A_165 = arith.extui %sign3A_164 : i1 to i32
    %sign3A_166 = arith.constant 0 : i32
    %sign3A_167 = arith.cmpi slt, %mul3A_2, %sign3A_166 : i32
    %sign3A_168 = arith.extui %sign3A_167 : i1 to i32
    %sign3A_169 = arith.subi %sign3A_165, %sign3A_168 : i32
    %sign3A_170 = arith.constant 0 : i32
    %sign3A_171 = arith.cmpi sgt, %jit3A_161, %sign3A_170 : i32
    %sign3A_172 = arith.extui %sign3A_171 : i1 to i32
    %sign3A_173 = arith.constant 0 : i32
    %sign3A_174 = arith.cmpi slt, %jit3A_161, %sign3A_173 : i32
    %sign3A_175 = arith.extui %sign3A_174 : i1 to i32
    %sign3A_176 = arith.subi %sign3A_172, %sign3A_175 : i32
    %ne3A_177 = arith.cmpi ne, %sign3A_169, %sign3A_176 : i32
    %rem3A_178 = arith.remsi %mul3A_2, %jit3A_161 : i32
    %ne3A_179 = arith.constant 0 : i32
    %ne3A_180 = arith.cmpi ne, %rem3A_178, %ne3A_179 : i32
    %and3A_181 = arith.andi %ne3A_177, %ne3A_180 : i1
    %sub3A_182 = arith.constant 1 : i32
    %sub3A_183 = arith.subi %div3A_162, %sub3A_182 : i32
    %select_n3A_184 = arith.select %and3A_181, %sub3A_183, %div3A_162 : i32
    %add3A_185 = arith.constant 256 : i32
    %add3A_186 = arith.addi %rem3A_3, %add3A_185 : i32
    %multiple_of3A_187 = tpu.assume_multiple %add3A_186, 8 : i32
    %dma_start3A_188 = arith.constant 0 : i32
    %dma_start3A_189 = tpu.memref_slice %arg5[%select_n3A_184, %multiple_of3A_187, %dma_start3A_188] : memref<16x2048x64xf32, #tpu.memory_space<hbm>> -> memref<1x256x64xf32, #tpu.memory_space<hbm>>
    %dma_start3A_190 = tpu.memref_squeeze %dma_start3A_189 : memref<1x256x64xf32, #tpu.memory_space<hbm>> -> memref<256x64xf32, #tpu.memory_space<hbm>>
    %dma_start3A_191 = arith.constant 0 : i32
    %dma_start3A_192 = tpu.memref_slice %arg5[%select_n3A_184, %multiple_of3A_187, %dma_start3A_191] : memref<16x2048x64xf32, #tpu.memory_space<hbm>> -> memref<1x256x64xf32, #tpu.memory_space<hbm>>
    %dma_start3A_193 = tpu.memref_squeeze %dma_start3A_192 : memref<1x256x64xf32, #tpu.memory_space<hbm>> -> memref<256x64xf32, #tpu.memory_space<hbm>>
    tpu.enqueue_dma source(%arg9 : memref<256x64xf32, #tpu.memory_space<vmem>>) target(%dma_start3A_193 : memref<256x64xf32, #tpu.memory_space<hbm>>) target_semaphore(%arg11 : memref<!tpu.dma_semaphore, #tpu.memory_space<semaphore_mem>>)
    %dma_wait3A_194 = arith.constant 0 : i32
    %dma_wait3A_195 = tpu.memref_slice %arg5[%select_n3A, %multiple_of3A_128, %dma_wait3A_194] : memref<16x2048x64xf32, #tpu.memory_space<hbm>> -> memref<1x256x64xf32, #tpu.memory_space<hbm>>
    %dma_wait3A_196 = tpu.memref_squeeze %dma_wait3A_195 : memref<1x256x64xf32, #tpu.memory_space<hbm>> -> memref<256x64xf32, #tpu.memory_space<hbm>>
    %dma_wait3A_197 = arith.constant 0 : i32
    %dma_wait3A_198 = tpu.memref_slice %arg5[%select_n3A, %multiple_of3A_128, %dma_wait3A_197] : memref<16x2048x64xf32, #tpu.memory_space<hbm>> -> memref<1x256x64xf32, #tpu.memory_space<hbm>>
    %dma_wait3A_199 = tpu.memref_squeeze %dma_wait3A_198 : memref<1x256x64xf32, #tpu.memory_space<hbm>> -> memref<256x64xf32, #tpu.memory_space<hbm>>
    tpu.wait_dma2 semaphore(%arg11 : memref<!tpu.dma_semaphore, #tpu.memory_space<semaphore_mem>>) src(%arg8 : memref<256x64xf32, #tpu.memory_space<vmem>>) dst(%dma_wait3A_199 : memref<256x64xf32, #tpu.memory_space<hbm>>)
    %add3A_200 = arith.constant 512 : i32
    %add3A_201 = arith.addi %rem3A_3, %add3A_200 : i32
    %multiple_of3A_202 = tpu.assume_multiple %add3A_201, 8 : i32
    "tpu.region"() ({
      %run_scoped3A = tpu.sem_alloc : memref<!tpu.dma_semaphore, #tpu.memory_space<semaphore_mem>>
      %dma_start3A_336 = arith.constant 0 : i32
      %dma_start3A_337 = tpu.memref_slice %arg4[%multiple_of3A_202, %dma_start3A_336] : memref<2048x64xf32, #tpu.memory_space<hbm>> -> memref<256x64xf32, #tpu.memory_space<hbm>>
      %dma_start3A_338 = arith.constant 0 : i32
      %dma_start3A_339 = tpu.memref_slice %arg4[%multiple_of3A_202, %dma_start3A_338] : memref<2048x64xf32, #tpu.memory_space<hbm>> -> memref<256x64xf32, #tpu.memory_space<hbm>>
      tpu.enqueue_dma source(%dma_start3A_339 : memref<256x64xf32, #tpu.memory_space<hbm>>) target(%arg8 : memref<256x64xf32, #tpu.memory_space<vmem>>) target_semaphore(%run_scoped3A : memref<!tpu.dma_semaphore, #tpu.memory_space<semaphore_mem>>)
      %dma_wait3A_340 = arith.constant 0 : i32
      %dma_wait3A_341 = tpu.memref_slice %arg4[%multiple_of3A_202, %dma_wait3A_340] : memref<2048x64xf32, #tpu.memory_space<hbm>> -> memref<256x64xf32, #tpu.memory_space<hbm>>
      %dma_wait3A_342 = arith.constant 0 : i32
      %dma_wait3A_343 = tpu.memref_slice %arg4[%multiple_of3A_202, %dma_wait3A_342] : memref<2048x64xf32, #tpu.memory_space<hbm>> -> memref<256x64xf32, #tpu.memory_space<hbm>>
      tpu.wait_dma2 semaphore(%run_scoped3A : memref<!tpu.dma_semaphore, #tpu.memory_space<semaphore_mem>>) src(%dma_wait3A_343 : memref<256x64xf32, #tpu.memory_space<hbm>>) dst(%arg8 : memref<256x64xf32, #tpu.memory_space<vmem>>)
      tpu.yield
    }) : () -> ()
    %dma_wait3A_203 = arith.constant 4 : i32
    %dma_wait3A_204 = arith.constant 512 : i32
    %dma_wait3A_205 = arith.constant 0 : i32
    %dma_wait3A_206 = tpu.memref_slice %arg7[%dma_wait3A_204, %dma_wait3A_205] : memref<1024x64xf32, #tpu.memory_space<vmem>> -> memref<128x64xf32, #tpu.memory_space<vmem>>
    %dma_wait3A_207 = arith.constant 0 : i32
    %dma_wait3A_208 = tpu.memref_slice %arg6[%dma_wait3A_203, %dma_wait3A_207] : memref<8x128xi32, #tpu.memory_space<vmem>> -> memref<1x128xi32, #tpu.memory_space<vmem>>
    %dma_wait3A_209 = tpu.memref_squeeze %dma_wait3A_208 : memref<1x128xi32, #tpu.memory_space<vmem>> -> memref<128xi32, #tpu.memory_space<vmem>>
    %dma_wait3A_210 = arith.constant 0 : i32
    %dma_wait3A_211 = arith.constant 0 : i32
    %dma_wait3A_212 = tpu.memref_slice %arg3[%dma_wait3A_210, %dma_wait3A_211] : memref<100000x64xf32, #tpu.memory_space<hbm>> -> memref<100000x64xf32, #tpu.memory_space<hbm>>
    tpu.wait_indirect_dma semaphore(%arg10 : memref<!tpu.dma_semaphore, #tpu.memory_space<semaphore_mem>>) src(%dma_wait3A_212 : memref<100000x64xf32, #tpu.memory_space<hbm>>) dst(%dma_wait3A_206 : memref<128x64xf32, #tpu.memory_space<vmem>>)
    %dma_wait3A_213 = arith.constant 5 : i32
    %dma_wait3A_214 = arith.constant 640 : i32
    %dma_wait3A_215 = arith.constant 0 : i32
    %dma_wait3A_216 = tpu.memref_slice %arg7[%dma_wait3A_214, %dma_wait3A_215] : memref<1024x64xf32, #tpu.memory_space<vmem>> -> memref<128x64xf32, #tpu.memory_space<vmem>>
    %dma_wait3A_217 = arith.constant 0 : i32
    %dma_wait3A_218 = tpu.memref_slice %arg6[%dma_wait3A_213, %dma_wait3A_217] : memref<8x128xi32, #tpu.memory_space<vmem>> -> memref<1x128xi32, #tpu.memory_space<vmem>>
    %dma_wait3A_219 = tpu.memref_squeeze %dma_wait3A_218 : memref<1x128xi32, #tpu.memory_space<vmem>> -> memref<128xi32, #tpu.memory_space<vmem>>
    %dma_wait3A_220 = arith.constant 0 : i32
    %dma_wait3A_221 = arith.constant 0 : i32
    %dma_wait3A_222 = tpu.memref_slice %arg3[%dma_wait3A_220, %dma_wait3A_221] : memref<100000x64xf32, #tpu.memory_space<hbm>> -> memref<100000x64xf32, #tpu.memory_space<hbm>>
    tpu.wait_indirect_dma semaphore(%arg10 : memref<!tpu.dma_semaphore, #tpu.memory_space<semaphore_mem>>) src(%dma_wait3A_222 : memref<100000x64xf32, #tpu.memory_space<hbm>>) dst(%dma_wait3A_216 : memref<128x64xf32, #tpu.memory_space<vmem>>)
    %parallel_loop3A_223 = arith.constant 0 : i32
    %parallel_loop3A_224 = arith.constant 256 : i32
    %parallel_loop3A_225 = arith.constant 1 : i32
    scf.for %parallel_loop3A_336 = %parallel_loop3A_223 to %parallel_loop3A_224 step %parallel_loop3A_225  : i32 {
      %parallel_loop3A_337 = arith.index_cast %parallel_loop3A_336 : i32 to index
      %parallel_loop3A_338 = arith.constant 0 : index
      %parallel_loop3A_339 = tpu.vector_load %arg8[%parallel_loop3A_337, %parallel_loop3A_338] {strides = array<i32>} : memref<256x64xf32, #tpu.memory_space<vmem>>, vector<1x16xf32>,
      %parallel_loop3A_340 = vector.shape_cast %parallel_loop3A_339 : vector<1x16xf32> to vector<16xf32>
      %parallel_loop3A_341 = arith.constant 512 : i32
      %parallel_loop3A_342 = arith.addi %parallel_loop3A_341, %parallel_loop3A_336 : i32
      %parallel_loop3A_343 = arith.index_cast %parallel_loop3A_342 : i32 to index
      %parallel_loop3A_344 = arith.constant 0 : index
      %parallel_loop3A_345 = tpu.vector_load %arg7[%parallel_loop3A_343, %parallel_loop3A_344] {strides = array<i32>} : memref<1024x64xf32, #tpu.memory_space<vmem>>, vector<1x16xf32>,
      %parallel_loop3A_346 = vector.shape_cast %parallel_loop3A_345 : vector<1x16xf32> to vector<16xf32>
      %parallel_loop3A_347 = arith.addf %parallel_loop3A_340, %parallel_loop3A_346 : vector<16xf32>
      %parallel_loop3A_348 = arith.index_cast %parallel_loop3A_336 : i32 to index
      %parallel_loop3A_349 = arith.constant 0 : index
      %parallel_loop3A_350 = tpu.vector_load %arg8[%parallel_loop3A_348, %parallel_loop3A_349] {strides = array<i32>} : memref<256x64xf32, #tpu.memory_space<vmem>>, vector<1x16xf32>,
      %parallel_loop3A_351 = vector.shape_cast %parallel_loop3A_350 : vector<1x16xf32> to vector<16xf32>
      %parallel_loop3A_352 = vector.shape_cast %parallel_loop3A_347 : vector<16xf32> to vector<1x16xf32>
      tpu.vector_store %arg8[%parallel_loop3A_348, %parallel_loop3A_349], %parallel_loop3A_352 {strides = array<i32>} : memref<256x64xf32, #tpu.memory_space<vmem>>, vector<1x16xf32>,
      %parallel_loop3A_353 = arith.index_cast %parallel_loop3A_336 : i32 to index
      %parallel_loop3A_354 = arith.constant 16 : index
      %parallel_loop3A_355 = tpu.vector_load %arg8[%parallel_loop3A_353, %parallel_loop3A_354] {strides = array<i32>} : memref<256x64xf32, #tpu.memory_space<vmem>>, vector<1x16xf32>,
      %parallel_loop3A_356 = vector.shape_cast %parallel_loop3A_355 : vector<1x16xf32> to vector<16xf32>
      %parallel_loop3A_357 = arith.constant 512 : i32
      %parallel_loop3A_358 = arith.addi %parallel_loop3A_357, %parallel_loop3A_336 : i32
      %parallel_loop3A_359 = arith.index_cast %parallel_loop3A_358 : i32 to index
      %parallel_loop3A_360 = arith.constant 16 : index
      %parallel_loop3A_361 = tpu.vector_load %arg7[%parallel_loop3A_359, %parallel_loop3A_360] {strides = array<i32>} : memref<1024x64xf32, #tpu.memory_space<vmem>>, vector<1x16xf32>,
      %parallel_loop3A_362 = vector.shape_cast %parallel_loop3A_361 : vector<1x16xf32> to vector<16xf32>
      %parallel_loop3A_363 = arith.addf %parallel_loop3A_356, %parallel_loop3A_362 : vector<16xf32>
      %parallel_loop3A_364 = arith.index_cast %parallel_loop3A_336 : i32 to index
      %parallel_loop3A_365 = arith.constant 16 : index
      %parallel_loop3A_366 = tpu.vector_load %arg8[%parallel_loop3A_364, %parallel_loop3A_365] {strides = array<i32>} : memref<256x64xf32, #tpu.memory_space<vmem>>, vector<1x16xf32>,
      %parallel_loop3A_367 = vector.shape_cast %parallel_loop3A_366 : vector<1x16xf32> to vector<16xf32>
      %parallel_loop3A_368 = vector.shape_cast %parallel_loop3A_363 : vector<16xf32> to vector<1x16xf32>
      tpu.vector_store %arg8[%parallel_loop3A_364, %parallel_loop3A_365], %parallel_loop3A_368 {strides = array<i32>} : memref<256x64xf32, #tpu.memory_space<vmem>>, vector<1x16xf32>,
      %parallel_loop3A_369 = arith.index_cast %parallel_loop3A_336 : i32 to index
      %parallel_loop3A_370 = arith.constant 32 : index
      %parallel_loop3A_371 = tpu.vector_load %arg8[%parallel_loop3A_369, %parallel_loop3A_370] {strides = array<i32>} : memref<256x64xf32, #tpu.memory_space<vmem>>, vector<1x16xf32>,
      %parallel_loop3A_372 = vector.shape_cast %parallel_loop3A_371 : vector<1x16xf32> to vector<16xf32>
      %parallel_loop3A_373 = arith.constant 512 : i32
      %parallel_loop3A_374 = arith.addi %parallel_loop3A_373, %parallel_loop3A_336 : i32
      %parallel_loop3A_375 = arith.index_cast %parallel_loop3A_374 : i32 to index
      %parallel_loop3A_376 = arith.constant 32 : index
      %parallel_loop3A_377 = tpu.vector_load %arg7[%parallel_loop3A_375, %parallel_loop3A_376] {strides = array<i32>} : memref<1024x64xf32, #tpu.memory_space<vmem>>, vector<1x16xf32>,
      %parallel_loop3A_378 = vector.shape_cast %parallel_loop3A_377 : vector<1x16xf32> to vector<16xf32>
      %parallel_loop3A_379 = arith.addf %parallel_loop3A_372, %parallel_loop3A_378 : vector<16xf32>
      %parallel_loop3A_380 = arith.index_cast %parallel_loop3A_336 : i32 to index
      %parallel_loop3A_381 = arith.constant 32 : index
      %parallel_loop3A_382 = tpu.vector_load %arg8[%parallel_loop3A_380, %parallel_loop3A_381] {strides = array<i32>} : memref<256x64xf32, #tpu.memory_space<vmem>>, vector<1x16xf32>,
      %parallel_loop3A_383 = vector.shape_cast %parallel_loop3A_382 : vector<1x16xf32> to vector<16xf32>
      %parallel_loop3A_384 = vector.shape_cast %parallel_loop3A_379 : vector<16xf32> to vector<1x16xf32>
      tpu.vector_store %arg8[%parallel_loop3A_380, %parallel_loop3A_381], %parallel_loop3A_384 {strides = array<i32>} : memref<256x64xf32, #tpu.memory_space<vmem>>, vector<1x16xf32>,
      %parallel_loop3A_385 = arith.index_cast %parallel_loop3A_336 : i32 to index
      %parallel_loop3A_386 = arith.constant 48 : index
      %parallel_loop3A_387 = tpu.vector_load %arg8[%parallel_loop3A_385, %parallel_loop3A_386] {strides = array<i32>} : memref<256x64xf32, #tpu.memory_space<vmem>>, vector<1x16xf32>,
      %parallel_loop3A_388 = vector.shape_cast %parallel_loop3A_387 : vector<1x16xf32> to vector<16xf32>
      %parallel_loop3A_389 = arith.constant 512 : i32
      %parallel_loop3A_390 = arith.addi %parallel_loop3A_389, %parallel_loop3A_336 : i32
      %parallel_loop3A_391 = arith.index_cast %parallel_loop3A_390 : i32 to index
      %parallel_loop3A_392 = arith.constant 48 : index
      %parallel_loop3A_393 = tpu.vector_load %arg7[%parallel_loop3A_391, %parallel_loop3A_392] {strides = array<i32>} : memref<1024x64xf32, #tpu.memory_space<vmem>>, vector<1x16xf32>,
      %parallel_loop3A_394 = vector.shape_cast %parallel_loop3A_393 : vector<1x16xf32> to vector<16xf32>
      %parallel_loop3A_395 = arith.addf %parallel_loop3A_388, %parallel_loop3A_394 : vector<16xf32>
      %parallel_loop3A_396 = arith.index_cast %parallel_loop3A_336 : i32 to index
      %parallel_loop3A_397 = arith.constant 48 : index
      %parallel_loop3A_398 = tpu.vector_load %arg8[%parallel_loop3A_396, %parallel_loop3A_397] {strides = array<i32>} : memref<256x64xf32, #tpu.memory_space<vmem>>, vector<1x16xf32>,
      %parallel_loop3A_399 = vector.shape_cast %parallel_loop3A_398 : vector<1x16xf32> to vector<16xf32>
      %parallel_loop3A_400 = vector.shape_cast %parallel_loop3A_395 : vector<16xf32> to vector<1x16xf32>
      tpu.vector_store %arg8[%parallel_loop3A_396, %parallel_loop3A_397], %parallel_loop3A_400 {strides = array<i32>} : memref<256x64xf32, #tpu.memory_space<vmem>>, vector<1x16xf32>,
    } {sc.loop_unroll_factor = 8 : i64, sc.parallel_access}
    %jit3A_226 = arith.constant 2048 : i32
    %div3A_227 = arith.divsi %mul3A_2, %jit3A_226 : i32
    %sign3A_228 = arith.constant 0 : i32
    %sign3A_229 = arith.cmpi sgt, %mul3A_2, %sign3A_228 : i32
    %sign3A_230 = arith.extui %sign3A_229 : i1 to i32
    %sign3A_231 = arith.constant 0 : i32
    %sign3A_232 = arith.cmpi slt, %mul3A_2, %sign3A_231 : i32
    %sign3A_233 = arith.extui %sign3A_232 : i1 to i32
    %sign3A_234 = arith.subi %sign3A_230, %sign3A_233 : i32
    %sign3A_235 = arith.constant 0 : i32
    %sign3A_236 = arith.cmpi sgt, %jit3A_226, %sign3A_235 : i32
    %sign3A_237 = arith.extui %sign3A_236 : i1 to i32
    %sign3A_238 = arith.constant 0 : i32
    %sign3A_239 = arith.cmpi slt, %jit3A_226, %sign3A_238 : i32
    %sign3A_240 = arith.extui %sign3A_239 : i1 to i32
    %sign3A_241 = arith.subi %sign3A_237, %sign3A_240 : i32
    %ne3A_242 = arith.cmpi ne, %sign3A_234, %sign3A_241 : i32
    %rem3A_243 = arith.remsi %mul3A_2, %jit3A_226 : i32
    %ne3A_244 = arith.constant 0 : i32
    %ne3A_245 = arith.cmpi ne, %rem3A_243, %ne3A_244 : i32
    %and3A_246 = arith.andi %ne3A_242, %ne3A_245 : i1
    %sub3A_247 = arith.constant 1 : i32
    %sub3A_248 = arith.subi %div3A_227, %sub3A_247 : i32
    %select_n3A_249 = arith.select %and3A_246, %sub3A_248, %div3A_227 : i32
    %add3A_250 = arith.constant 512 : i32
    %add3A_251 = arith.addi %rem3A_3, %add3A_250 : i32
    %multiple_of3A_252 = tpu.assume_multiple %add3A_251, 8 : i32
    %dma_start3A_253 = arith.constant 0 : i32
    %dma_start3A_254 = tpu.memref_slice %arg5[%select_n3A_249, %multiple_of3A_252, %dma_start3A_253] : memref<16x2048x64xf32, #tpu.memory_space<hbm>> -> memref<1x256x64xf32, #tpu.memory_space<hbm>>
    %dma_start3A_255 = tpu.memref_squeeze %dma_start3A_254 : memref<1x256x64xf32, #tpu.memory_space<hbm>> -> memref<256x64xf32, #tpu.memory_space<hbm>>
    %dma_start3A_256 = arith.constant 0 : i32
    %dma_start3A_257 = tpu.memref_slice %arg5[%select_n3A_249, %multiple_of3A_252, %dma_start3A_256] : memref<16x2048x64xf32, #tpu.memory_space<hbm>> -> memref<1x256x64xf32, #tpu.memory_space<hbm>>
    %dma_start3A_258 = tpu.memref_squeeze %dma_start3A_257 : memref<1x256x64xf32, #tpu.memory_space<hbm>> -> memref<256x64xf32, #tpu.memory_space<hbm>>
    tpu.enqueue_dma source(%arg8 : memref<256x64xf32, #tpu.memory_space<vmem>>) target(%dma_start3A_258 : memref<256x64xf32, #tpu.memory_space<hbm>>) target_semaphore(%arg11 : memref<!tpu.dma_semaphore, #tpu.memory_space<semaphore_mem>>)
    %dma_wait3A_259 = arith.constant 0 : i32
    %dma_wait3A_260 = tpu.memref_slice %arg5[%select_n3A_184, %multiple_of3A_187, %dma_wait3A_259] : memref<16x2048x64xf32, #tpu.memory_space<hbm>> -> memref<1x256x64xf32, #tpu.memory_space<hbm>>
    %dma_wait3A_261 = tpu.memref_squeeze %dma_wait3A_260 : memref<1x256x64xf32, #tpu.memory_space<hbm>> -> memref<256x64xf32, #tpu.memory_space<hbm>>
    %dma_wait3A_262 = arith.constant 0 : i32
    %dma_wait3A_263 = tpu.memref_slice %arg5[%select_n3A_184, %multiple_of3A_187, %dma_wait3A_262] : memref<16x2048x64xf32, #tpu.memory_space<hbm>> -> memref<1x256x64xf32, #tpu.memory_space<hbm>>
    %dma_wait3A_264 = tpu.memref_squeeze %dma_wait3A_263 : memref<1x256x64xf32, #tpu.memory_space<hbm>> -> memref<256x64xf32, #tpu.memory_space<hbm>>
    tpu.wait_dma2 semaphore(%arg11 : memref<!tpu.dma_semaphore, #tpu.memory_space<semaphore_mem>>) src(%arg9 : memref<256x64xf32, #tpu.memory_space<vmem>>) dst(%dma_wait3A_264 : memref<256x64xf32, #tpu.memory_space<hbm>>)
    %add3A_265 = arith.constant 768 : i32
    %add3A_266 = arith.addi %rem3A_3, %add3A_265 : i32
    %multiple_of3A_267 = tpu.assume_multiple %add3A_266, 8 : i32
    "tpu.region"() ({
      %run_scoped3A = tpu.sem_alloc : memref<!tpu.dma_semaphore, #tpu.memory_space<semaphore_mem>>
      %dma_start3A_336 = arith.constant 0 : i32
      %dma_start3A_337 = tpu.memref_slice %arg4[%multiple_of3A_267, %dma_start3A_336] : memref<2048x64xf32, #tpu.memory_space<hbm>> -> memref<256x64xf32, #tpu.memory_space<hbm>>
      %dma_start3A_338 = arith.constant 0 : i32
      %dma_start3A_339 = tpu.memref_slice %arg4[%multiple_of3A_267, %dma_start3A_338] : memref<2048x64xf32, #tpu.memory_space<hbm>> -> memref<256x64xf32, #tpu.memory_space<hbm>>
      tpu.enqueue_dma source(%dma_start3A_339 : memref<256x64xf32, #tpu.memory_space<hbm>>) target(%arg9 : memref<256x64xf32, #tpu.memory_space<vmem>>) target_semaphore(%run_scoped3A : memref<!tpu.dma_semaphore, #tpu.memory_space<semaphore_mem>>)
      %dma_wait3A_340 = arith.constant 0 : i32
      %dma_wait3A_341 = tpu.memref_slice %arg4[%multiple_of3A_267, %dma_wait3A_340] : memref<2048x64xf32, #tpu.memory_space<hbm>> -> memref<256x64xf32, #tpu.memory_space<hbm>>
      %dma_wait3A_342 = arith.constant 0 : i32
      %dma_wait3A_343 = tpu.memref_slice %arg4[%multiple_of3A_267, %dma_wait3A_342] : memref<2048x64xf32, #tpu.memory_space<hbm>> -> memref<256x64xf32, #tpu.memory_space<hbm>>
      tpu.wait_dma2 semaphore(%run_scoped3A : memref<!tpu.dma_semaphore, #tpu.memory_space<semaphore_mem>>) src(%dma_wait3A_343 : memref<256x64xf32, #tpu.memory_space<hbm>>) dst(%arg9 : memref<256x64xf32, #tpu.memory_space<vmem>>)
      tpu.yield
    }) : () -> ()
    %dma_wait3A_268 = arith.constant 6 : i32
    %dma_wait3A_269 = arith.constant 768 : i32
    %dma_wait3A_270 = arith.constant 0 : i32
    %dma_wait3A_271 = tpu.memref_slice %arg7[%dma_wait3A_269, %dma_wait3A_270] : memref<1024x64xf32, #tpu.memory_space<vmem>> -> memref<128x64xf32, #tpu.memory_space<vmem>>
    %dma_wait3A_272 = arith.constant 0 : i32
    %dma_wait3A_273 = tpu.memref_slice %arg6[%dma_wait3A_268, %dma_wait3A_272] : memref<8x128xi32, #tpu.memory_space<vmem>> -> memref<1x128xi32, #tpu.memory_space<vmem>>
    %dma_wait3A_274 = tpu.memref_squeeze %dma_wait3A_273 : memref<1x128xi32, #tpu.memory_space<vmem>> -> memref<128xi32, #tpu.memory_space<vmem>>
    %dma_wait3A_275 = arith.constant 0 : i32
    %dma_wait3A_276 = arith.constant 0 : i32
    %dma_wait3A_277 = tpu.memref_slice %arg3[%dma_wait3A_275, %dma_wait3A_276] : memref<100000x64xf32, #tpu.memory_space<hbm>> -> memref<100000x64xf32, #tpu.memory_space<hbm>>
    tpu.wait_indirect_dma semaphore(%arg10 : memref<!tpu.dma_semaphore, #tpu.memory_space<semaphore_mem>>) src(%dma_wait3A_277 : memref<100000x64xf32, #tpu.memory_space<hbm>>) dst(%dma_wait3A_271 : memref<128x64xf32, #tpu.memory_space<vmem>>)
    %dma_wait3A_278 = arith.constant 7 : i32
    %dma_wait3A_279 = arith.constant 896 : i32
    %dma_wait3A_280 = arith.constant 0 : i32
    %dma_wait3A_281 = tpu.memref_slice %arg7[%dma_wait3A_279, %dma_wait3A_280] : memref<1024x64xf32, #tpu.memory_space<vmem>> -> memref<128x64xf32, #tpu.memory_space<vmem>>
    %dma_wait3A_282 = arith.constant 0 : i32
    %dma_wait3A_283 = tpu.memref_slice %arg6[%dma_wait3A_278, %dma_wait3A_282] : memref<8x128xi32, #tpu.memory_space<vmem>> -> memref<1x128xi32, #tpu.memory_space<vmem>>
    %dma_wait3A_284 = tpu.memref_squeeze %dma_wait3A_283 : memref<1x128xi32, #tpu.memory_space<vmem>> -> memref<128xi32, #tpu.memory_space<vmem>>
    %dma_wait3A_285 = arith.constant 0 : i32
    %dma_wait3A_286 = arith.constant 0 : i32
    %dma_wait3A_287 = tpu.memref_slice %arg3[%dma_wait3A_285, %dma_wait3A_286] : memref<100000x64xf32, #tpu.memory_space<hbm>> -> memref<100000x64xf32, #tpu.memory_space<hbm>>
    tpu.wait_indirect_dma semaphore(%arg10 : memref<!tpu.dma_semaphore, #tpu.memory_space<semaphore_mem>>) src(%dma_wait3A_287 : memref<100000x64xf32, #tpu.memory_space<hbm>>) dst(%dma_wait3A_281 : memref<128x64xf32, #tpu.memory_space<vmem>>)
    %parallel_loop3A_288 = arith.constant 0 : i32
    %parallel_loop3A_289 = arith.constant 256 : i32
    %parallel_loop3A_290 = arith.constant 1 : i32
    scf.for %parallel_loop3A_336 = %parallel_loop3A_288 to %parallel_loop3A_289 step %parallel_loop3A_290  : i32 {
      %parallel_loop3A_337 = arith.index_cast %parallel_loop3A_336 : i32 to index
      %parallel_loop3A_338 = arith.constant 0 : index
      %parallel_loop3A_339 = tpu.vector_load %arg9[%parallel_loop3A_337, %parallel_loop3A_338] {strides = array<i32>} : memref<256x64xf32, #tpu.memory_space<vmem>>, vector<1x16xf32>,
      %parallel_loop3A_340 = vector.shape_cast %parallel_loop3A_339 : vector<1x16xf32> to vector<16xf32>
      %parallel_loop3A_341 = arith.constant 768 : i32
      %parallel_loop3A_342 = arith.addi %parallel_loop3A_341, %parallel_loop3A_336 : i32
      %parallel_loop3A_343 = arith.index_cast %parallel_loop3A_342 : i32 to index
      %parallel_loop3A_344 = arith.constant 0 : index
      %parallel_loop3A_345 = tpu.vector_load %arg7[%parallel_loop3A_343, %parallel_loop3A_344] {strides = array<i32>} : memref<1024x64xf32, #tpu.memory_space<vmem>>, vector<1x16xf32>,
      %parallel_loop3A_346 = vector.shape_cast %parallel_loop3A_345 : vector<1x16xf32> to vector<16xf32>
      %parallel_loop3A_347 = arith.addf %parallel_loop3A_340, %parallel_loop3A_346 : vector<16xf32>
      %parallel_loop3A_348 = arith.index_cast %parallel_loop3A_336 : i32 to index
      %parallel_loop3A_349 = arith.constant 0 : index
      %parallel_loop3A_350 = tpu.vector_load %arg9[%parallel_loop3A_348, %parallel_loop3A_349] {strides = array<i32>} : memref<256x64xf32, #tpu.memory_space<vmem>>, vector<1x16xf32>,
      %parallel_loop3A_351 = vector.shape_cast %parallel_loop3A_350 : vector<1x16xf32> to vector<16xf32>
      %parallel_loop3A_352 = vector.shape_cast %parallel_loop3A_347 : vector<16xf32> to vector<1x16xf32>
      tpu.vector_store %arg9[%parallel_loop3A_348, %parallel_loop3A_349], %parallel_loop3A_352 {strides = array<i32>} : memref<256x64xf32, #tpu.memory_space<vmem>>, vector<1x16xf32>,
      %parallel_loop3A_353 = arith.index_cast %parallel_loop3A_336 : i32 to index
      %parallel_loop3A_354 = arith.constant 16 : index
      %parallel_loop3A_355 = tpu.vector_load %arg9[%parallel_loop3A_353, %parallel_loop3A_354] {strides = array<i32>} : memref<256x64xf32, #tpu.memory_space<vmem>>, vector<1x16xf32>,
      %parallel_loop3A_356 = vector.shape_cast %parallel_loop3A_355 : vector<1x16xf32> to vector<16xf32>
      %parallel_loop3A_357 = arith.constant 768 : i32
      %parallel_loop3A_358 = arith.addi %parallel_loop3A_357, %parallel_loop3A_336 : i32
      %parallel_loop3A_359 = arith.index_cast %parallel_loop3A_358 : i32 to index
      %parallel_loop3A_360 = arith.constant 16 : index
      %parallel_loop3A_361 = tpu.vector_load %arg7[%parallel_loop3A_359, %parallel_loop3A_360] {strides = array<i32>} : memref<1024x64xf32, #tpu.memory_space<vmem>>, vector<1x16xf32>,
      %parallel_loop3A_362 = vector.shape_cast %parallel_loop3A_361 : vector<1x16xf32> to vector<16xf32>
      %parallel_loop3A_363 = arith.addf %parallel_loop3A_356, %parallel_loop3A_362 : vector<16xf32>
      %parallel_loop3A_364 = arith.index_cast %parallel_loop3A_336 : i32 to index
      %parallel_loop3A_365 = arith.constant 16 : index
      %parallel_loop3A_366 = tpu.vector_load %arg9[%parallel_loop3A_364, %parallel_loop3A_365] {strides = array<i32>} : memref<256x64xf32, #tpu.memory_space<vmem>>, vector<1x16xf32>,
      %parallel_loop3A_367 = vector.shape_cast %parallel_loop3A_366 : vector<1x16xf32> to vector<16xf32>
      %parallel_loop3A_368 = vector.shape_cast %parallel_loop3A_363 : vector<16xf32> to vector<1x16xf32>
      tpu.vector_store %arg9[%parallel_loop3A_364, %parallel_loop3A_365], %parallel_loop3A_368 {strides = array<i32>} : memref<256x64xf32, #tpu.memory_space<vmem>>, vector<1x16xf32>,
      %parallel_loop3A_369 = arith.index_cast %parallel_loop3A_336 : i32 to index
      %parallel_loop3A_370 = arith.constant 32 : index
      %parallel_loop3A_371 = tpu.vector_load %arg9[%parallel_loop3A_369, %parallel_loop3A_370] {strides = array<i32>} : memref<256x64xf32, #tpu.memory_space<vmem>>, vector<1x16xf32>,
      %parallel_loop3A_372 = vector.shape_cast %parallel_loop3A_371 : vector<1x16xf32> to vector<16xf32>
      %parallel_loop3A_373 = arith.constant 768 : i32
      %parallel_loop3A_374 = arith.addi %parallel_loop3A_373, %parallel_loop3A_336 : i32
      %parallel_loop3A_375 = arith.index_cast %parallel_loop3A_374 : i32 to index
      %parallel_loop3A_376 = arith.constant 32 : index
      %parallel_loop3A_377 = tpu.vector_load %arg7[%parallel_loop3A_375, %parallel_loop3A_376] {strides = array<i32>} : memref<1024x64xf32, #tpu.memory_space<vmem>>, vector<1x16xf32>,
      %parallel_loop3A_378 = vector.shape_cast %parallel_loop3A_377 : vector<1x16xf32> to vector<16xf32>
      %parallel_loop3A_379 = arith.addf %parallel_loop3A_372, %parallel_loop3A_378 : vector<16xf32>
      %parallel_loop3A_380 = arith.index_cast %parallel_loop3A_336 : i32 to index
      %parallel_loop3A_381 = arith.constant 32 : index
      %parallel_loop3A_382 = tpu.vector_load %arg9[%parallel_loop3A_380, %parallel_loop3A_381] {strides = array<i32>} : memref<256x64xf32, #tpu.memory_space<vmem>>, vector<1x16xf32>,
      %parallel_loop3A_383 = vector.shape_cast %parallel_loop3A_382 : vector<1x16xf32> to vector<16xf32>
      %parallel_loop3A_384 = vector.shape_cast %parallel_loop3A_379 : vector<16xf32> to vector<1x16xf32>
      tpu.vector_store %arg9[%parallel_loop3A_380, %parallel_loop3A_381], %parallel_loop3A_384 {strides = array<i32>} : memref<256x64xf32, #tpu.memory_space<vmem>>, vector<1x16xf32>,
      %parallel_loop3A_385 = arith.index_cast %parallel_loop3A_336 : i32 to index
      %parallel_loop3A_386 = arith.constant 48 : index
      %parallel_loop3A_387 = tpu.vector_load %arg9[%parallel_loop3A_385, %parallel_loop3A_386] {strides = array<i32>} : memref<256x64xf32, #tpu.memory_space<vmem>>, vector<1x16xf32>,
      %parallel_loop3A_388 = vector.shape_cast %parallel_loop3A_387 : vector<1x16xf32> to vector<16xf32>
      %parallel_loop3A_389 = arith.constant 768 : i32
      %parallel_loop3A_390 = arith.addi %parallel_loop3A_389, %parallel_loop3A_336 : i32
      %parallel_loop3A_391 = arith.index_cast %parallel_loop3A_390 : i32 to index
      %parallel_loop3A_392 = arith.constant 48 : index
      %parallel_loop3A_393 = tpu.vector_load %arg7[%parallel_loop3A_391, %parallel_loop3A_392] {strides = array<i32>} : memref<1024x64xf32, #tpu.memory_space<vmem>>, vector<1x16xf32>,
      %parallel_loop3A_394 = vector.shape_cast %parallel_loop3A_393 : vector<1x16xf32> to vector<16xf32>
      %parallel_loop3A_395 = arith.addf %parallel_loop3A_388, %parallel_loop3A_394 : vector<16xf32>
      %parallel_loop3A_396 = arith.index_cast %parallel_loop3A_336 : i32 to index
      %parallel_loop3A_397 = arith.constant 48 : index
      %parallel_loop3A_398 = tpu.vector_load %arg9[%parallel_loop3A_396, %parallel_loop3A_397] {strides = array<i32>} : memref<256x64xf32, #tpu.memory_space<vmem>>, vector<1x16xf32>,
      %parallel_loop3A_399 = vector.shape_cast %parallel_loop3A_398 : vector<1x16xf32> to vector<16xf32>
      %parallel_loop3A_400 = vector.shape_cast %parallel_loop3A_395 : vector<16xf32> to vector<1x16xf32>
      tpu.vector_store %arg9[%parallel_loop3A_396, %parallel_loop3A_397], %parallel_loop3A_400 {strides = array<i32>} : memref<256x64xf32, #tpu.memory_space<vmem>>, vector<1x16xf32>,
    } {sc.loop_unroll_factor = 8 : i64, sc.parallel_access}
    %jit3A_291 = arith.constant 2048 : i32
    %div3A_292 = arith.divsi %mul3A_2, %jit3A_291 : i32
    %sign3A_293 = arith.constant 0 : i32
    %sign3A_294 = arith.cmpi sgt, %mul3A_2, %sign3A_293 : i32
    %sign3A_295 = arith.extui %sign3A_294 : i1 to i32
    %sign3A_296 = arith.constant 0 : i32
    %sign3A_297 = arith.cmpi slt, %mul3A_2, %sign3A_296 : i32
    %sign3A_298 = arith.extui %sign3A_297 : i1 to i32
    %sign3A_299 = arith.subi %sign3A_295, %sign3A_298 : i32
    %sign3A_300 = arith.constant 0 : i32
    %sign3A_301 = arith.cmpi sgt, %jit3A_291, %sign3A_300 : i32
    %sign3A_302 = arith.extui %sign3A_301 : i1 to i32
    %sign3A_303 = arith.constant 0 : i32
    %sign3A_304 = arith.cmpi slt, %jit3A_291, %sign3A_303 : i32
    %sign3A_305 = arith.extui %sign3A_304 : i1 to i32
    %sign3A_306 = arith.subi %sign3A_302, %sign3A_305 : i32
    %ne3A_307 = arith.cmpi ne, %sign3A_299, %sign3A_306 : i32
    %rem3A_308 = arith.remsi %mul3A_2, %jit3A_291 : i32
    %ne3A_309 = arith.constant 0 : i32
    %ne3A_310 = arith.cmpi ne, %rem3A_308, %ne3A_309 : i32
    %and3A_311 = arith.andi %ne3A_307, %ne3A_310 : i1
    %sub3A_312 = arith.constant 1 : i32
    %sub3A_313 = arith.subi %div3A_292, %sub3A_312 : i32
    %select_n3A_314 = arith.select %and3A_311, %sub3A_313, %div3A_292 : i32
    %add3A_315 = arith.constant 768 : i32
    %add3A_316 = arith.addi %rem3A_3, %add3A_315 : i32
    %multiple_of3A_317 = tpu.assume_multiple %add3A_316, 8 : i32
    %dma_start3A_318 = arith.constant 0 : i32
    %dma_start3A_319 = tpu.memref_slice %arg5[%select_n3A_314, %multiple_of3A_317, %dma_start3A_318] : memref<16x2048x64xf32, #tpu.memory_space<hbm>> -> memref<1x256x64xf32, #tpu.memory_space<hbm>>
    %dma_start3A_320 = tpu.memref_squeeze %dma_start3A_319 : memref<1x256x64xf32, #tpu.memory_space<hbm>> -> memref<256x64xf32, #tpu.memory_space<hbm>>
    %dma_start3A_321 = arith.constant 0 : i32
    %dma_start3A_322 = tpu.memref_slice %arg5[%select_n3A_314, %multiple_of3A_317, %dma_start3A_321] : memref<16x2048x64xf32, #tpu.memory_space<hbm>> -> memref<1x256x64xf32, #tpu.memory_space<hbm>>
    %dma_start3A_323 = tpu.memref_squeeze %dma_start3A_322 : memref<1x256x64xf32, #tpu.memory_space<hbm>> -> memref<256x64xf32, #tpu.memory_space<hbm>>
    tpu.enqueue_dma source(%arg9 : memref<256x64xf32, #tpu.memory_space<vmem>>) target(%dma_start3A_323 : memref<256x64xf32, #tpu.memory_space<hbm>>) target_semaphore(%arg11 : memref<!tpu.dma_semaphore, #tpu.memory_space<semaphore_mem>>)
    %dma_wait3A_324 = arith.constant 0 : i32
    %dma_wait3A_325 = tpu.memref_slice %arg5[%select_n3A_249, %multiple_of3A_252, %dma_wait3A_324] : memref<16x2048x64xf32, #tpu.memory_space<hbm>> -> memref<1x256x64xf32, #tpu.memory_space<hbm>>
    %dma_wait3A_326 = tpu.memref_squeeze %dma_wait3A_325 : memref<1x256x64xf32, #tpu.memory_space<hbm>> -> memref<256x64xf32, #tpu.memory_space<hbm>>
    %dma_wait3A_327 = arith.constant 0 : i32
    %dma_wait3A_328 = tpu.memref_slice %arg5[%select_n3A_249, %multiple_of3A_252, %dma_wait3A_327] : memref<16x2048x64xf32, #tpu.memory_space<hbm>> -> memref<1x256x64xf32, #tpu.memory_space<hbm>>
    %dma_wait3A_329 = tpu.memref_squeeze %dma_wait3A_328 : memref<1x256x64xf32, #tpu.memory_space<hbm>> -> memref<256x64xf32, #tpu.memory_space<hbm>>
    tpu.wait_dma2 semaphore(%arg11 : memref<!tpu.dma_semaphore, #tpu.memory_space<semaphore_mem>>) src(%arg8 : memref<256x64xf32, #tpu.memory_space<vmem>>) dst(%dma_wait3A_329 : memref<256x64xf32, #tpu.memory_space<hbm>>)
    %dma_wait3A_330 = arith.constant 0 : i32
    %dma_wait3A_331 = tpu.memref_slice %arg5[%select_n3A_314, %multiple_of3A_317, %dma_wait3A_330] : memref<16x2048x64xf32, #tpu.memory_space<hbm>> -> memref<1x256x64xf32, #tpu.memory_space<hbm>>
    %dma_wait3A_332 = tpu.memref_squeeze %dma_wait3A_331 : memref<1x256x64xf32, #tpu.memory_space<hbm>> -> memref<256x64xf32, #tpu.memory_space<hbm>>
    %dma_wait3A_333 = arith.constant 0 : i32
    %dma_wait3A_334 = tpu.memref_slice %arg5[%select_n3A_314, %multiple_of3A_317, %dma_wait3A_333] : memref<16x2048x64xf32, #tpu.memory_space<hbm>> -> memref<1x256x64xf32, #tpu.memory_space<hbm>>
    %dma_wait3A_335 = tpu.memref_squeeze %dma_wait3A_334 : memref<1x256x64xf32, #tpu.memory_space<hbm>> -> memref<256x64xf32, #tpu.memory_space<hbm>>
    tpu.wait_dma2 semaphore(%arg11 : memref<!tpu.dma_semaphore, #tpu.memory_space<semaphore_mem>>) src(%arg9 : memref<256x64xf32, #tpu.memory_space<vmem>>) dst(%dma_wait3A_335 : memref<256x64xf32, #tpu.memory_space<hbm>>)
    return
  }
}

</mosaic_0001>

<sc_bundles>
// kernel: kernel.3.cloned.1.call-start
scs
__scs_entry_jumppad:
0x0: {  	(pc) =	sbr.rel $0x88, $3  }
0x1: {  	(tag) =	ssettag $0x0;
	lr =	simm.s32 $0x1  }
0x2: {  	[smem:$0x3F9E] =	sst lr;
	_ =	strace $0xD0000000  }
0x3: {  	_ = 	snop  }
0x4: {  	_ = 	snop  }
0x5: {  	_ = 	snop  }
0x6: {  	_ = 	snop  }
0x7: {  	_ = 	snop  }
__scs_overlays_trampoline_lowered:
0x8: {  	[smem:$0x3FAD] =	sst s0  }
0x9: {  	[smem:$0x3FAE] =	sst s1  }
0xa: {  	[smem:$0x3FAF] =	sst s2  }
0xb: {  	[smem:$0x3FB0] =	sst s3  }
0xc: {  	[smem:$0x3FB1] =	sst s4  }
0xd: {  	[smem:$0x3FB2] =	sst s5  }
0xe: {  	[smem:$0x3FB3] =	sst s6  }
0xf: {  	[smem:$0x3FB4] =	sst s7  }
0x10: {  	[smem:$0x3FB5] =	sst s8  }
0x11: {  	[smem:$0x3FB6] =	sst s9;
	s0 =	simm.s32 @!p0 $0x0  }
0x12: {  	s1 =	sld [smem:$0x3F9C];
	s0 =	simm.s32 @p0 $0x1  }
0x13: {  	[smem:$0x3FB7] =	sst s0;
	s0 =	simm.s32 @!p1 $0x0  }
0x14: {  	s2 =	sld [smem:$0x3F9B];
	s0 =	simm.s32 @p1 $0x1  }
0x15: {  	[smem:$0x3FB8] =	sst s0;
	s0 =	simm.s32 @!p2 $0x0  }
0x16: {  	s3 =	sld [smem:$0x3FDB];
	s0 =	simm.s32 @p2 $0x1  }
0x17: {  	s4 =	simm.s32 $0x1BF5;
	[smem:$0x3FBA] =	sst s0  }
0x18: {  	s0 =	sld [smem:$0x3F9D];
	_ =	swait.ge [sflag:s4], $0x0  }
0x19: {  	s7 =	sld [smem:$0x3F9E]  }
0x1a: {  	s8 =	sadd.s32 $0xFFFFE003, lr  }
0x1b: {  	s9 =	sadd.s32 $0xFFFFFEF7, lr;
	s5 =	simm.s32 $0xFFFFFFFF;
	p2 =	slt.u32 s8, $0xFFFFF086  }
0x1c: {  	p1 =	slt.u32 s9, $0xF7A;
	s5 =	simm.s32 @!p2 $0x0  }
0x1d: {  	s5 =	simm.s32 @p1 $0x1;
	p0 =	seq.s32 s7, s2  }
0x1e: {  	s7 =	smul.u32 @!p0 $0xF7A, s2;
	p2 =	seq.s32 @!p0 s5, $0x0  }
0x1f: {  	s9 =	smul.u32 $0xF7A, s1;
	s8 =	simm.s32 @!p0 $0x1BF5;
	p2 =	por !p2, p0  }
0x20: {  	[sflag:s8] =	ssyncset.s32 @!p0 $0xFFFFF086;
	s6 =	sadd.s32 @!p0 s3, s7;
	s7 =	simm.s32 @!p0 $0x108  }
0x21: {  	s3 =	sadd.s32 s3, s9;
	s6 =	sadd.s32 @!p0 $0x88, s6;
	s7 =	simm.s32 @p2 $0x1082  }
0x22: {  	[simem:s7], [sflag:s8] =	dma.local @!p0 [hbm:s6], $0xF7A  }
0x23: {  	s9 =	sor.u32 $0xD0000000, s2;
	s6 =	simm.s32 $0x108;
	_ =	swait.ge @!p0 [sflag:s8], $0x0  }
0x24: {  	s3 =	sadd.s32 $0x88, s3;
	s6 =	simm.s32 @!p1 $0x1082;
	[sflag:s4] =	ssyncset.s32 $0xFFFFF086  }
0x25: {  	[simem:s6], [sflag:s4] =	dma.local [hbm:s3], $0xF7A  }
0x26: {  	[smem:$0x3F9E] =	sst s1;
	(tag) =	ssettag s2;
	_ =	strace s9  }
0x27: {  	s1 =	sld [smem:$0x3FAE]  }
0x28: {  	s2 =	sld [smem:$0x3FAF]  }
0x29: {  	s4 =	sld [smem:$0x3FB1]  }
0x2a: {  	p0 =	seq.s32 s5, $0x0;
	s5 =	sld [smem:$0x3FB2]  }
0x2b: {  	s6 =	sld [smem:$0x3FB3]  }
0x2c: {  	s7 =	sld [smem:$0x3FB4]  }
0x2d: {  	s3 =	simm.s32 $0x108;
	s8 =	sld [smem:$0x3FB5]  }
0x2e: {  	s3 =	simm.s32 @!p0 $0x1082;
	s9 =	sld [smem:$0x3FB6]  }
0x2f: {  	lr =	sadd.s32 s0, s3;
	s0 =	sld [smem:$0x3FAD]  }
0x30: {  	s3 =	sld [smem:$0x3FB0]  }
0x31: {  	[smem:$0x3FB9] =	sst s10  }
0x32: {  	s10 =	sld [smem:$0x3FB7];
	_ =	sdelay $0x3  }
0x33: {  	p0 =	seq.s32 s10, $0x1;
	s10 =	sld [smem:$0x3FB9];
	_ =	sdelay $0x3  }
0x34: {  	[smem:$0x3FB9] =	sst s10  }
0x35: {  	s10 =	sld [smem:$0x3FB8];
	_ =	sdelay $0x3  }
0x36: {  	p1 =	seq.s32 s10, $0x1;
	s10 =	sld [smem:$0x3FB9];
	_ =	sdelay $0x3  }
0x37: {  	[smem:$0x3FB9] =	sst s10  }
0x38: {  	s10 =	sld [smem:$0x3FBA]  }
0x39: {  	_ = 	snop;
	(pc) =	sbr.ind lr, $3  }
0x3a: {  	_ = 	snop  }
0x3b: {  	_ = 	snop  }
0x3c: {  	p2 =	seq.s32 s10, $0x1;
	s10 =	sld [smem:$0x3FB9]  }
0x3d: {  	_ =	shalt  }
0x3e: {  	_ =	shalt  }
0x3f: {  	_ =	shalt  }
0x40: {  	_ =	shalt  }
0x41: {  	_ =	shalt  }
0x42: {  	_ =	shalt  }
0x43: {  	_ =	shalt  }
0x44: {  	_ =	shalt  }
0x45: {  	_ =	shalt  }
0x46: {  	_ =	shalt  }
0x47: {  	_ =	shalt  }
0x48: {  	_ =	shalt  }
0x49: {  	_ =	shalt  }
0x4a: {  	_ =	shalt  }
0x4b: {  	_ =	shalt  }
0x4c: {  	_ =	shalt  }
0x4d: {  	_ =	shalt  }
0x4e: {  	_ =	shalt  }
0x4f: {  	_ =	shalt  }
0x50: {  	_ =	shalt  }
0x51: {  	_ =	shalt  }
0x52: {  	_ =	shalt  }
0x53: {  	_ =	shalt  }
0x54: {  	_ =	shalt  }
0x55: {  	_ =	shalt  }
0x56: {  	_ =	shalt  }
0x57: {  	_ =	shalt  }
0x58: {  	_ =	shalt  }
0x59: {  	_ =	shalt  }
0x5a: {  	_ =	shalt  }
0x5b: {  	_ =	shalt  }
0x5c: {  	_ =	shalt  }
0x5d: {  	_ =	shalt  }
0x5e: {  	_ =	shalt  }
0x5f: {  	_ =	shalt  }
0x60: {  	_ =	shalt  }
0x61: {  	_ =	shalt  }
0x62: {  	_ =	shalt  }
0x63: {  	_ =	shalt  }
0x64: {  	_ =	shalt  }
0x65: {  	_ =	shalt  }
0x66: {  	_ =	shalt  }
0x67: {  	_ =	shalt  }
0x68: {  	_ =	shalt  }
0x69: {  	_ =	shalt  }
0x6a: {  	_ =	shalt  }
0x6b: {  	_ =	shalt  }
0x6c: {  	_ =	shalt  }
0x6d: {  	_ =	shalt  }
0x6e: {  	_ =	shalt  }
0x6f: {  	_ =	shalt  }
0x70: {  	_ =	shalt  }
0x71: {  	_ =	shalt  }
0x72: {  	_ =	shalt  }
0x73: {  	_ =	shalt  }
0x74: {  	_ =	shalt  }
0x75: {  	_ =	shalt  }
0x76: {  	_ =	shalt  }
0x77: {  	_ =	shalt  }
0x78: {  	_ =	shalt  }
0x79: {  	_ =	shalt  }
0x7a: {  	_ =	shalt  }
0x7b: {  	_ =	shalt  }
0x7c: {  	_ =	shalt  }
0x7d: {  	_ =	shalt  }
0x7e: {  	_ =	shalt  }
0x7f: {  	_ =	shalt  }
0x80: {  	_ =	shalt  }
0x81: {  	_ =	shalt  }
0x82: {  	_ =	shalt  }
0x83: {  	_ =	shalt  }
0x84: {  	_ =	shalt  }
0x85: {  	_ =	shalt  }
0x86: {  	_ =	shalt  }
0x87: {  	_ =	shalt  }
.Lfunc_end0:
.L_simem_size_0:
called_computation_lowered:
.L_overlay_start_0:
0x88: {  	s2 =	sld [smem:$0x3FD9]  }
0x89: {  	s3 =	sld [smem:$0x3FFE];
	_ =	sdelay $0x1  }
0x8a: {  	s1 =	srdreg.scid  }
0x8b: {  	s0 =	sand.u32 $0x1, s1  }
0x8c: {  	s17 =	sshll.u32 s0, $0xA;
	s2 =	sadd.s32 s3, s2  }
0x8d: {  	s2 =	sadd.s32 s2, s17  }
0x8e: {  	[smem:$0x3FC5] =	sst s2  }
0x8f: {  	_ = 	snop  }
0x90: {  	s2 =	sld [smem:$0x3FD0];
	(tm) =	ssettm $0x1  }
0x91: {  	s18 =	sld [smem:$0x3FFB];
	_ =	sdelay $0x3  }
0x92: {  	_ =	strace s18  }
0x93: {  	s3 =	sld [smem:$0x3FFC];
	_ =	sdelay $0x3  }
0x94: {  	_ =	strace s3  }
0x95: {  	s3 =	sld [smem:$0x3FFD];
	_ =	sdelay $0x3  }
0x96: {  	_ =	strace s3  }
0x97: {  	_ =	strace $0x8FFFFFFF  }
0x98: {  	s19 =	sld [smem:$0x3FDB];
	_ =	sdelay $0x1  }
0x99: {  	s4 =	simm.s32 $_scs_section_size  }
0x9a: {  	s5 =	simm.s32 $_size__tile_overlayer_lowered;
	s6 =	simm.s32 $_tile_overlayer_lowered  }
0x9b: {  	s22 =	simm.s32 $0x1BFF;
	s21 =	sshll.u32 s6, $0x1;
	s3 =	sadd.s32 s4, s19  }
0x9c: {  	s7 =	simm.s32 $0x0;
	s20 =	sshll.u32 s5, $0x1;
	s5 =	sadd.s32 s21, s3  }
0x9d: {  	[timem:s7], [sflag:s22] =	dma.local [hbm:s5], s20  }
0x9e: {  	_ =	swait.ge [sflag:s22], s20  }
0x9f: {  	s4 =	ssub.s32 $0x0, s20;
	[sflag:s22] =	ssyncset.done $0x0  }
0xa0: {  	[sflag:s22] =	ssyncadd.s32 s4;
	_ =	sdelay $0x1  }
0xa1: {  	s23 =	simm.s32 $0x1B8B  }
0xa2: {  	_ =	swait.ge [sflag:s23], $0x1  }
0xa3: {  	[sflag:s23] =	ssyncset.done $0x0  }
0xa4: {  	s25 =	simm.s32 $0x1B8E;
	s24 =	sld [smem:$0x3FFE];
	[sflag:s23] =	ssyncadd.s32 $0xFFFFFFFF  }
0xa5: {  	s26 =	simm.s32 $execute0_lowered;
	[smem:$0x3FD2] =	sst s25  }
0xa6: {  	s5 =	sshll.u32 s26, $0x1;
	_ =	strace $0x80000046;
	[dreg:$0x1] =	wrdreg $0xFFFFFFFF  }
0xa7: {  	s28 =	simm.s32 $_size_execute0_lowered;
	s3 =	sadd.s32 s3, s5;
	[dreg:$0x0] =	wrdreg $0x0  }
0xa8: {  	s5 =	sshll.u32 s28, $0x1;
	[dreg:$0x2] =	wrdreg s3  }
0xa9: {  	[dreg:$0x3] =	wrdreg s5  }
0xaa: {  	[dreg:$0x4] =	wrdreg $0xC0  }
0xab: {  	_ =	task [dreg:s7], $0x5FFFF  }
0xac: {  	[dreg:$0x1] =	wrdreg $0xFFFFFFFF  }
0xad: {  	[dreg:$0x0] =	wrdreg $0x60  }
0xae: {  	[dreg:$0x2] =	wrdreg s24  }
0xaf: {  	[dreg:$0x3] =	wrdreg s2  }
0xb0: {  	[dreg:$0x4] =	wrdreg $0x9  }
0xb1: {  	_ =	task.clear_ibuf [dreg:s7], $0x5FFFF;
	_ =	strace $0x90000046  }
0xb2: {  	s29 =	simm.s32 $0x9;
	_ =	strace $0x80000048  }
0xb3: {  	_ =	swait.ge [sflag:s29], $0x1  }
0xb4: {  	[sflag:s29] =	ssyncadd.s32 $0xFFFFFFFF  }
0xb5: {  	_ =	strace $0x90000048  }
0xb6: {  	_ =	sfence  }
0xb7: {  	s30 =	sld [smem:$0x0];
	_ =	sdelay $0x2  }
0xb8: {  	s31 =	sshll.u32 s1, $0xD;
	s1 =	sshrl.u32 s1, $0x2  }
0xb9: {  	s3 =	sand.u32 $0x4000, s31;
	s1 =	sadd.s32 s1, s30  }
0xba: {  	s0 =	sor.u32 s3, s0;
	s1 =	sshll.u32 s1, $0x11  }
0xbb: {  	s0 =	sor.u32 s1, s0  }
0xbc: {  	s0 =	sadd.s32 $0x8F2B, s0  }
0xbd: {  	[sflag:s0] =	ssyncadd.remote.s32 $0x1  }
0xbe: {  	_ =	sfence.sel $0xFFFF  }
0xbf: {  	[dreg:$0x0] =	wrdreg $0xFFFFFFFF;
	(pc) =	sbr.abs _section_cstart, $3  }
0xc0: {  	[dreg:$0x1] =	wrdreg $0xFFFFFFFF  }
0xc1: {  	_ =	task.clear_ibuf [dreg:s7], $0x2FFFF;
	_ =	strace $0x9FFFFFFF  }
0xc2: {  	(tm) =	ssettm $0x7FFFFFFF  }
0xc3: {  	_ =	shalt  }
tec
execute0_lowered:
.L_overlay_start_1:
0x0: {  	(tag) =	ssettag $0x1  }
0x1: {  	s0 =	rddreg [dreg:$0x0]  }
0x2: {  	s1 =	rddreg [dreg:$0x1]  }
0x3: {  	s2 =	srdreg.scid;
	s8 =	stileid.u32;
	s15 =	simm.s32 $0x80  }
0x4: {  	s28 =	simm.s32 $0xC400;
	s29 =	simm.s32 $0x380;
	s30 =	simm.s32 $0xE400  }
0x5: {  	s31 =	simm.s32 $0x10400;
	s16 =	simm.s32 $0x2;
	s17 =	simm.s32 $0x0  }
0x6: {  	s4 =	sand.u32 $0x1, s2;
	s2 =	simm.s32 $0x0;
	s3 =	sshll.u32 s8, $0x8  }
0x7: {  	s10 =	sshll.u32 s8, $0x11;
	s5 =	sshll.u32 s4, $0x7;
	[smem:$0x7FF] =	sst s2  }
0x8: {  	s21 =	ssub.s32 $0x2, s4;
	s22 =	sshll.u32 s4, $0xD;
	s9 =	sshll.u32 s4, $0x10  }
0x9: {  	s3 =	sor.u32 s5, s3;
	_ =	strace $0x80000047;
	s7 =	sshrl.u32 s21, $0x1  }
0xa: {  	s23 =	sor.u32 s9, s10;
	s24 =	sor.u32 $0x4000, s9;
	s11 =	sor.u32 $0x8000, s9  }
0xb: {  	s14 =	sor.u32 $0xC000, s9;
	s6 =	sadd.s32 s3, s0;
	s3 =	sadd.s32 $0x187200, s0  }
0xc: {  	s0 =	sadd.s32 $0x800, s0;
	s13 =	ssub.s32 s21, s7;
	s8 =	sor.u32 s10, s24  }
0xd: {  	s7 =	sshrl.u32 s24, $0x3;
	s12 =	sshrl.u32 s11, $0x3;
	s11 =	sor.u32 s10, s11  }
0xe: {  	s25 =	sor.u32 s10, s14;
	s26 =	sshrl.u32 s14, $0x3;
	s14 =	simm.s32 $0x3  }
0xf: {  	s24 =	simm.s32 $0x280;
	s4 =	sadd.s32 $0x4800, s6;
	s5 =	sadd.s32 s0, s22  }
0x10: {  	s6 =	sshrl.u32 s23, $0x3;
	s8 =	sshrl.u32 s8, $0x3;
	s7 =	sadd.s32 s0, s7  }
0x11: {  	s9 =	sadd.s32 s0, s12;
	s11 =	sshrl.u32 s11, $0x3;
	s12 =	sshrl.u32 s25, $0x3  }
0x12: {  	s13 =	smax.u32 s13, $0x1;
	s22 =	simm.s32 $0x200;
	s23 =	simm.s32 $0x8400  }
0x13: {  	s25 =	simm.s32 $0xA400;
	s6 =	sadd.s32 s1, s6;
	s8 =	sadd.s32 s1, s8  }
0x14: {  	s10 =	sadd.s32 s1, s11;
	s11 =	sadd.s32 s0, s26;
	s12 =	sadd.s32 s1, s12  }
0x15: {  	s26 =	simm.s32 $0x300;
	s0 =	simm.s32 $0x1;
	s1 =	simm.s32 $0x14400  }
.LBB2_1:
0x16: {  	[tilespmem:s2], [sflag:$0x3] =	stream.linear.gather [hbm4b:s4+s2], $0x400, $0x38;
	[tilespmem:$0x18400] =	vst v63  }
0x17: {  	_ =	swait.ge [sflag:s14], $0x400  }
0x18: {  	[sflag:s14] =	ssyncset.done $0x0  }
0x19: {  	s18 =	simm.s32 $0x400;
	[sflag:s14] =	ssyncadd.s32 $0xFFFFFC00  }
0x1a: {  	[tilespmem:s18], [sflag:$0x1] =	stream.indirect.gather [hbm4b:s3+s15], $0x40, s2, s15, $0xb8;
	[tilespmem:$0x18400] =	vst v63  }
0x1b: {  	s20 =	simm.s32 $0x2400  }
0x1c: {  	[tilespmem:s20], [sflag:$0x1] =	stream.indirect.gather [hbm4b:s3+s15], $0x40, s15, s15, $0xb8;
	[tilespmem:$0x18400] =	vst v63  }
0x1d: {  	s21 =	simm.s32 $0x100;
	s19 =	simm.s32 $0x4400  }
0x1e: {  	[tilespmem:s19], [sflag:$0x1] =	stream.indirect.gather [hbm4b:s3+s15], $0x40, s21, s15, $0xb8;
	[tilespmem:$0x18400] =	vst v63  }
0x1f: {  	s20 =	simm.s32 $0x180;
	s21 =	simm.s32 $0x6400  }
0x20: {  	[tilespmem:s21], [sflag:$0x1] =	stream.indirect.gather [hbm4b:s3+s15], $0x40, s20, s15, $0xb8;
	[tilespmem:$0x18400] =	vst v63  }
0x21: {  	_ = 	snop  }
0x22: {  	[tilespmem:s23], [sflag:$0x1] =	stream.indirect.gather [hbm4b:s3+s15], $0x40, s22, s15, $0xb8;
	[tilespmem:$0x18400] =	vst v63  }
0x23: {  	_ = 	snop  }
0x24: {  	[tilespmem:s25], [sflag:$0x1] =	stream.indirect.gather [hbm4b:s3+s15], $0x40, s24, s15, $0xb8;
	[tilespmem:$0x18400] =	vst v63  }
0x25: {  	_ = 	snop  }
0x26: {  	[tilespmem:s28], [sflag:$0x1] =	stream.indirect.gather [hbm4b:s3+s15], $0x40, s26, s15, $0xb8;
	[tilespmem:$0x18400] =	vst v63  }
0x27: {  	_ = 	snop  }
0x28: {  	[tilespmem:s30], [sflag:$0x1] =	stream.indirect.gather [hbm4b:s3+s15], $0x40, s29, s15, $0xb8;
	[tilespmem:$0x18400] =	vst v63  }
0x29: {  	_ = 	snop  }
0x2a: {  	[tilespmem:s31], [sflag:$0x3] =	stream.linear.gather [hbm4b:s5+s2], $0x4000, $0x38;
	[tilespmem:$0x18400] =	vst v63  }
0x2b: {  	_ =	swait.ge [sflag:s14], $0x4000  }
0x2c: {  	[sflag:s14] =	ssyncset.done $0x0  }
0x2d: {  	[sflag:s14] =	ssyncadd.s32 $0xFFFFC000  }
0x2e: {  	_ =	swait.ge [sflag:s0], $0x2000  }
0x2f: {  	[sflag:s0] =	ssyncset.done $0x0  }
0x30: {  	[sflag:s0] =	ssyncadd.s32 $0xFFFFE000  }
0x31: {  	_ =	swait.ge [sflag:s0], $0x2000  }
0x32: {  	[sflag:s0] =	ssyncset.done $0x0  }
0x33: {  	s18 =	simm.s32 $0x10500;
	[sflag:s0] =	ssyncadd.s32 $0xFFFFE000  }
0x34: {  	s19 =	simm.s32 $0x500;
	v0 =	vld [tilespmem:s18+$0xC0]  }
0x35: {  	v1 =	vld [tilespmem:s19+$0xC0]  }
0x36: {  	v2 =	vld [tilespmem:s19+$0xFFFFFF00]  }
0x37: {  	v3 =	vld [tilespmem:s18+$0xFFFFFF40]  }
0x38: {  	v4 =	vld [tilespmem:s18+$0xFFFFFF80]  }
0x39: {  	v6 =	vld [tilespmem:s19+$0xFFFFFF80]  }
0x3a: {  	v7 =	vld [tilespmem:s18+$0xFFFFFFC0]  }
0x3b: {  	v8 =	vld [tilespmem:s19+$0xFFFFFFC0]  }
0x3c: {  	v9 =	vld [tilespmem:s18+$0x0]  }
0x3d: {  	v10 =	vld [tilespmem:s19+$0x0]  }
0x3e: {  	v11 =	vld [tilespmem:s19+$0x40]  }
0x3f: {  	v60 =	vld [tilespmem:s18+$0xFFFFFFD0]  }
0x40: {  	v13 =	vld [tilespmem:s18+$0x10]  }
0x41: {  	v61 =	vld [tilespmem:s18+$0xFFFFFFE0]  }
0x42: {  	v62 =	vld [tilespmem:s18+$0x60];
	v0 =	vadd.f32 v1, v0  }
0x43: {  	v1 =	vld [tilespmem:s19+$0xFFFFFF40]  }
0x44: {  	[tilespmem:s18+$0xC0] =	vst v0;
	v0 =	vld [tilespmem:s18+$0xD0]  }
0x45: {  	v5 =	vld [tilespmem:s19+$0xD0]  }
0x46: {  	v63 =	vld [tilespmem:s18+$0xFFFFFF30];
	v4 =	vadd.f32 v6, v4  }
0x47: {  	v6 =	vld [tilespmem:s19+$0x80]  }
0x48: {  	[tilespmem:s18+$0xFFFFFF80] =	vst v4;
	v4 =	vadd.f32 v10, v9;
	v10 =	vld [tilespmem:s18+$0xFFFFFF50];
	v1 =	vadd.f32 v1, v3  }
0x49: {  	v3 =	vld [tilespmem:s18+$0x80]  }
0x4a: {  	[tilespmem:s18+$0xFFFFFF40] =	vst v1;
	v0 =	vadd.f32 v5, v0;
	v5 =	vld [tilespmem:s18+$0x40]  }
0x4b: {  	v1 =	vadd.f32 v8, v7;
	v8 =	vld [tilespmem:s19+$0xFFFFFF50]  }
0x4c: {  	[tilespmem:s18+$0xD0] =	vst v0;
	v0 =	vld [tilespmem:s18+$0xE0]  }
0x4d: {  	[tilespmem:s18+$0x0] =	vst v4;
	v12 =	vld [tilespmem:s19+$0xE0]  }
0x4e: {  	v9 =	vld [tilespmem:s19+$0x10]  }
0x4f: {  	v7 =	vld [tilespmem:s18+$0xFFFFFF00]  }
0x50: {  	[tilespmem:s18+$0xFFFFFFC0] =	vst v1;
	v1 =	vld [tilespmem:s19+$0xFFFFFF90]  }
0x51: {  	v4 =	vld [tilespmem:s19+$0xFFFFFFD0];
	v8 =	vadd.f32 v8, v10  }
0x52: {  	v5 =	vadd.f32 v11, v5;
	v11 =	vld [tilespmem:s18+$0xFFFFFF90];
	v0 =	vadd.f32 v12, v0  }
0x53: {  	v10 =	vld [tilespmem:s18+$0x90];
	[tilespmem:s18+$0xFFFFFF50] =	vst v8  }
0x54: {  	v8 =	vld [tilespmem:s19+$0xFFFFFF60];
	[tilespmem:s18+$0xE0] =	vst v0;
	v0 =	vadd.f32 v2, v7  }
0x55: {  	[tilespmem:s18+$0x40] =	vst v5;
	v7 =	vld [tilespmem:s18+$0xF0];
	v2 =	vadd.f32 v6, v3  }
0x56: {  	v5 =	vld [tilespmem:s19+$0xF0];
	[tilespmem:s18+$0xFFFFFF00] =	vst v0  }
0x57: {  	v1 =	vadd.f32 v1, v11;
	[tilespmem:s18+$0x80] =	vst v2;
	v2 =	vld [tilespmem:s18+$0xFFFFFF10]  }
0x58: {  	v3 =	vld [tilespmem:s19+$0xFFFFFF10]  }
0x59: {  	[tilespmem:s18+$0xFFFFFF90] =	vst v1;
	v1 =	vadd.f32 v9, v13;
	v6 =	vld [tilespmem:s19+$0x90]  }
0x5a: {  	v4 =	vadd.f32 v4, v60;
	v0 =	vld [tilespmem:s19+$0x50]  }
0x5b: {  	v9 =	vld [tilespmem:s19+$0xFFFFFFA0];
	[tilespmem:s18+$0x10] =	vst v1  }
0x5c: {  	[tilespmem:s18+$0xFFFFFFD0] =	vst v4;
	v4 =	vld [tilespmem:s19+$0x20]  }
0x5d: {  	v2 =	vadd.f32 v3, v2;
	v3 =	vld [tilespmem:s18+$0x50]  }
0x5e: {  	v1 =	vadd.f32 v6, v10;
	v10 =	vld [tilespmem:s18+$0xFFFFFFA0]  }
0x5f: {  	[tilespmem:s18+$0xFFFFFF10] =	vst v2;
	v2 =	vld [tilespmem:s18+$0xFFFFFF20]  }
0x60: {  	v11 =	vld [tilespmem:s19+$0xFFFFFF20]  }
0x61: {  	v5 =	vadd.f32 v5, v7;
	[tilespmem:s18+$0x90] =	vst v1;
	v1 =	vld [tilespmem:s18+$0xFFFFFF60]  }
0x62: {  	v7 =	vld [tilespmem:s18+$0x30]  }
0x63: {  	[tilespmem:s18+$0xF0] =	vst v5;
	v5 =	vld [tilespmem:s18+$0x70]  }
0x64: {  	v6 =	vld [tilespmem:s19+$0xA0]  }
0x65: {  	v0 =	vadd.f32 v0, v3;
	v3 =	vld [tilespmem:s19+$0xFFFFFFE0];
	v2 =	vadd.f32 v11, v2  }
0x66: {  	v1 =	vadd.f32 v8, v1;
	v8 =	vadd.f32 v9, v10;
	v9 =	vld [tilespmem:s18+$0xFFFFFFB0]  }
0x67: {  	[tilespmem:s18+$0xFFFFFF20] =	vst v2;
	v2 =	vld [tilespmem:s18+$0xA0]  }
0x68: {  	[tilespmem:s18+$0x50] =	vst v0;
	v11 =	vld [tilespmem:s18+$0x20]  }
0x69: {  	v0 =	vld [tilespmem:s19+$0x60];
	[tilespmem:s18+$0xFFFFFF60] =	vst v1  }
0x6a: {  	[tilespmem:s18+$0xFFFFFFA0] =	vst v8;
	v8 =	vld [tilespmem:s18+$0xFFFFFFF0]  }
0x6b: {  	v1 =	vadd.f32 v3, v61;
	v14 =	vld [tilespmem:s19+$0xFFFFFF70]  }
0x6c: {  	v10 =	vld [tilespmem:s19+$0xFFFFFF30];
	v6 =	vadd.f32 v6, v2  }
0x6d: {  	[tilespmem:s18+$0xFFFFFFE0] =	vst v1;
	v3 =	vadd.f32 v4, v11;
	v4 =	vld [tilespmem:s19+$0xFFFFFFB0]  }
0x6e: {  	v0 =	vadd.f32 v0, v62;
	[tilespmem:s18+$0xA0] =	vst v6;
	v6 =	vld [tilespmem:s18+$0xFFFFFF70]  }
0x6f: {  	v1 =	vld [tilespmem:s19+$0xFFFFFFF0];
	[tilespmem:s18+$0x20] =	vst v3  }
0x70: {  	[tilespmem:s18+$0x60] =	vst v0;
	v2 =	vld [tilespmem:s19+$0x30]  }
0x71: {  	v3 =	vld [tilespmem:s19+$0x70];
	v10 =	vadd.f32 v10, v63  }
0x72: {  	v0 =	vld [tilespmem:s19+$0xB0]  }
0x73: {  	s20 =	simm.s32 $0x0;
	s21 =	simm.s32 $0x10700;
	[tilespmem:s18+$0xFFFFFF30] =	vst v10;
	v10 =	vadd.f32 v14, v6;
	v6 =	vld [tilespmem:s18+$0xB0]  }
.LBB2_2:
0x74: {  	v11 =	vld [tilespmem:s21+$0xC0];
	v4 =	vadd.f32 v4, v9;
	s19 =	sadd.s32 $0x200, s19  }
0x75: {  	s20 =	sadd.s32 $0x8, s20;
	v9 =	vld [tilespmem:s19+$0xC0];
	[tilespmem:s18+$0xFFFFFF70] =	vst v10;
	v1 =	vadd.f32 v1, v8  }
0x76: {  	p0 =	slt.u32 s20, $0xF8;
	v8 =	vld [tilespmem:s19+$0xFFFFFF00];
	[tilespmem:s18+$0xFFFFFFB0] =	vst v4;
	v2 =	vadd.f32 v2, v7  }
0x77: {  	v4 =	vld [tilespmem:s21+$0xFFFFFF40];
	[tilespmem:s18+$0xFFFFFFF0] =	vst v1;
	v1 =	vadd.f32 v3, v5  }
0x78: {  	v3 =	vld [tilespmem:s19+$0xFFFFFF40];
	[tilespmem:s18+$0x30] =	vst v2;
	v0 =	vadd.f32 v0, v6  }
0x79: {  	v2 =	vld [tilespmem:s21+$0xFFFFFF80];
	[tilespmem:s18+$0x70] =	vst v1  }
0x7a: {  	v1 =	vld [tilespmem:s19+$0xFFFFFF80];
	v5 =	vadd.f32 v9, v11;
	[tilespmem:s18+$0xB0] =	vst v0;
	s18 =	smov.u32 s21  }
0x7b: {  	v0 =	vld [tilespmem:s21+$0xFFFFFFC0]  }
0x7c: {  	[tilespmem:s21+$0xC0] =	vst v5;
	v5 =	vld [tilespmem:s21+$0xD0]  }
0x7d: {  	v3 =	vadd.f32 v3, v4;
	v4 =	vld [tilespmem:s19+$0xD0]  }
0x7e: {  	v6 =	vld [tilespmem:s19+$0xFFFFFFC0]  }
0x7f: {  	[tilespmem:s21+$0xFFFFFF40] =	vst v3;
	v1 =	vadd.f32 v1, v2;
	v2 =	vld [tilespmem:s21+$0x0]  }
0x80: {  	v3 =	vld [tilespmem:s19+$0x0]  }
0x81: {  	[tilespmem:s21+$0xFFFFFF80] =	vst v1;
	v1 =	vld [tilespmem:s21+$0x40]  }
0x82: {  	v7 =	vld [tilespmem:s19+$0x40];
	v4 =	vadd.f32 v4, v5  }
0x83: {  	v0 =	vadd.f32 v6, v0;
	v5 =	vld [tilespmem:s21+$0x80]  }
0x84: {  	[tilespmem:s21+$0xD0] =	vst v4;
	v4 =	vld [tilespmem:s21+$0xE0]  }
0x85: {  	[tilespmem:s21+$0xFFFFFFC0] =	vst v0;
	v0 =	vadd.f32 v3, v2;
	v2 =	vld [tilespmem:s19+$0xE0]  }
0x86: {  	v3 =	vld [tilespmem:s19+$0x80]  }
0x87: {  	v6 =	vld [tilespmem:s21+$0xFFFFFF00];
	[tilespmem:s21+$0x0] =	vst v0;
	v0 =	vadd.f32 v7, v1  }
0x88: {  	v1 =	vld [tilespmem:s19+$0xFFFFFF50]  }
0x89: {  	v7 =	vld [tilespmem:s19+$0xFFFFFF90];
	[tilespmem:s21+$0x40] =	vst v0  }
0x8a: {  	v0 =	vld [tilespmem:s19+$0xFFFFFFD0];
	v2 =	vadd.f32 v2, v4  }
0x8b: {  	v4 =	vld [tilespmem:s19+$0x10];
	v3 =	vadd.f32 v3, v5  }
0x8c: {  	v5 =	vadd.f32 v8, v6;
	[tilespmem:s21+$0xE0] =	vst v2;
	v2 =	vld [tilespmem:s21+$0xF0]  }
0x8d: {  	[tilespmem:s21+$0x80] =	vst v3;
	v3 =	vld [tilespmem:s19+$0xF0]  }
0x8e: {  	[tilespmem:s21+$0xFFFFFF00] =	vst v5;
	v5 =	vld [tilespmem:s19+$0x50]  }
0x8f: {  	v6 =	vld [tilespmem:s19+$0xFFFFFF10]  }
0x90: {  	v8 =	vld [tilespmem:s19+$0x90]  }
0x91: {  	v9 =	vld [tilespmem:s21+$0xFFFFFF10]  }
0x92: {  	v10 =	vld [tilespmem:s21+$0xFFFFFF50];
	v2 =	vadd.f32 v3, v2  }
0x93: {  	v3 =	vld [tilespmem:s21+$0xFFFFFF90]  }
0x94: {  	v11 =	vld [tilespmem:s21+$0xFFFFFFD0];
	[tilespmem:s21+$0xF0] =	vst v2  }
0x95: {  	v2 =	vld [tilespmem:s21+$0x10]  }
0x96: {  	v6 =	vadd.f32 v6, v9;
	v9 =	vld [tilespmem:s21+$0x50]  }
0x97: {  	v1 =	vadd.f32 v1, v10;
	v10 =	vld [tilespmem:s21+$0x90]  }
0x98: {  	[tilespmem:s21+$0xFFFFFF10] =	vst v6;
	v6 =	vld [tilespmem:s21+$0xFFFFFF20];
	v3 =	vadd.f32 v7, v3  }
0x99: {  	v7 =	vld [tilespmem:s19+$0xFFFFFF20];
	[tilespmem:s21+$0xFFFFFF50] =	vst v1;
	v0 =	vadd.f32 v0, v11  }
0x9a: {  	v1 =	vld [tilespmem:s19+$0xFFFFFF60];
	[tilespmem:s21+$0xFFFFFF90] =	vst v3;
	v2 =	vadd.f32 v4, v2  }
0x9b: {  	v3 =	vld [tilespmem:s19+$0xFFFFFFA0];
	[tilespmem:s21+$0xFFFFFFD0] =	vst v0;
	v0 =	vadd.f32 v5, v9  }
0x9c: {  	v4 =	vld [tilespmem:s19+$0xFFFFFFE0];
	[tilespmem:s21+$0x10] =	vst v2;
	v2 =	vadd.f32 v8, v10  }
0x9d: {  	v5 =	vld [tilespmem:s19+$0x20];
	[tilespmem:s21+$0x50] =	vst v0  }
0x9e: {  	v0 =	vadd.f32 v7, v6;
	v6 =	vld [tilespmem:s19+$0x60];
	[tilespmem:s21+$0x90] =	vst v2  }
0x9f: {  	v2 =	vld [tilespmem:s19+$0xA0]  }
0xa0: {  	[tilespmem:s21+$0xFFFFFF20] =	vst v0;
	v0 =	vld [tilespmem:s21+$0xFFFFFF60]  }
0xa1: {  	v7 =	vld [tilespmem:s21+$0xFFFFFFA0]  }
0xa2: {  	v8 =	vld [tilespmem:s21+$0xFFFFFFE0]  }
0xa3: {  	v9 =	vld [tilespmem:s21+$0x20]  }
0xa4: {  	v10 =	vld [tilespmem:s21+$0x60]  }
0xa5: {  	v0 =	vadd.f32 v1, v0;
	v11 =	vld [tilespmem:s21+$0xA0]  }
0xa6: {  	v12 =	vld [tilespmem:s19+$0xFFFFFF30];
	v1 =	vadd.f32 v3, v7  }
0xa7: {  	v3 =	vld [tilespmem:s21+$0xFFFFFF30];
	[tilespmem:s21+$0xFFFFFF60] =	vst v0;
	v0 =	vadd.f32 v4, v8  }
0xa8: {  	v13 =	vld [tilespmem:s19+$0xFFFFFF70];
	[tilespmem:s21+$0xFFFFFFA0] =	vst v1;
	v5 =	vadd.f32 v5, v9  }
0xa9: {  	v4 =	vld [tilespmem:s19+$0xFFFFFFB0];
	[tilespmem:s21+$0xFFFFFFE0] =	vst v0;
	v0 =	vadd.f32 v6, v10  }
0xaa: {  	v1 =	vld [tilespmem:s19+$0xFFFFFFF0];
	[tilespmem:s21+$0x20] =	vst v5;
	v5 =	vadd.f32 v2, v11  }
0xab: {  	v2 =	vld [tilespmem:s19+$0x30];
	[tilespmem:s21+$0x60] =	vst v0  }
0xac: {  	v6 =	vadd.f32 v12, v3;
	v3 =	vld [tilespmem:s19+$0x70];
	[tilespmem:s21+$0xA0] =	vst v5  }
0xad: {  	v0 =	vld [tilespmem:s19+$0xB0]  }
0xae: {  	[tilespmem:s21+$0xFFFFFF30] =	vst v6;
	v6 =	vld [tilespmem:s21+$0xFFFFFF70]  }
.Ltmp0:
0xaf: {  	v9 =	vld [tilespmem:s21+$0xFFFFFFB0];
	(pc) =	sbr.rel @p0 .LBB2_2-.Ltmp0, $4  }
0xb0: {  	v8 =	vld [tilespmem:s21+$0xFFFFFFF0]  }
0xb1: {  	v7 =	vld [tilespmem:s21+$0x30]  }
0xb2: {  	v5 =	vld [tilespmem:s21+$0x70]  }
0xb3: {  	s21 =	sadd.s32 $0x200, s21;
	v10 =	vadd.f32 v13, v6;
	v6 =	vld [tilespmem:s18+$0xB0]  }
0xb4: {  	v4 =	vadd.f32 v4, v9  }
0xb5: {  	[tilespmem:s18+$0xFFFFFF70] =	vst v10;
	v1 =	vadd.f32 v1, v8  }
0xb6: {  	[tilespmem:s18+$0xFFFFFFB0] =	vst v4;
	v2 =	vadd.f32 v2, v7  }
0xb7: {  	[tilespmem:s18+$0xFFFFFFF0] =	vst v1;
	v1 =	vadd.f32 v3, v5  }
0xb8: {  	[tilespmem:s18+$0x30] =	vst v2;
	v0 =	vadd.f32 v0, v6  }
0xb9: {  	[tilespmem:s18+$0x70] =	vst v1  }
0xba: {  	s21 =	simm.s32 $0x0;
	[tilespmem:s18+$0xB0] =	vst v0  }
0xbb: {  	[hbm4b:s6+s21] =	stream.linear.scatter [tilespmem:s31], [sflag:$0x2], $0x4000, $0x38;
	[tilespmem:$0x18400] =	vst v63  }
0xbc: {  	_ = 	snop  }
0xbd: {  	[tilespmem:s1], [sflag:$0x3] =	stream.linear.gather [hbm4b:s7+s21], $0x4000, $0x38;
	[tilespmem:$0x18400] =	vst v63  }
0xbe: {  	_ =	swait.ge [sflag:s14], $0x4000  }
0xbf: {  	[sflag:s14] =	ssyncset.done $0x0  }
0xc0: {  	[sflag:s14] =	ssyncadd.s32 $0xFFFFC000  }
0xc1: {  	_ =	swait.ge [sflag:s0], $0x2000  }
0xc2: {  	[sflag:s0] =	ssyncset.done $0x0  }
0xc3: {  	[sflag:s0] =	ssyncadd.s32 $0xFFFFE000  }
0xc4: {  	_ =	swait.ge [sflag:s0], $0x2000  }
0xc5: {  	[sflag:s0] =	ssyncset.done $0x0  }
0xc6: {  	s18 =	simm.s32 $0x0;
	[sflag:s0] =	ssyncadd.s32 $0xFFFFE000  }
0xc7: {  	v0 =	vld [tilespmem:s18+$0x145F0]  }
0xc8: {  	v1 =	vld [tilespmem:s18+$0x45F0]  }
0xc9: {  	v2 =	vld [tilespmem:s18+$0x14400]  }
0xca: {  	v3 =	vld [tilespmem:s18+$0x4400]  }
0xcb: {  	v4 =	vld [tilespmem:s18+$0x14410]  }
0xcc: {  	v5 =	vld [tilespmem:s18+$0x4410]  }
0xcd: {  	v6 =	vld [tilespmem:s18+$0x14420]  }
0xce: {  	v7 =	vld [tilespmem:s18+$0x4420]  }
0xcf: {  	v48 =	vld [tilespmem:s18+$0x14430]  }
0xd0: {  	v49 =	vld [tilespmem:s18+$0x4430]  }
0xd1: {  	v50 =	vld [tilespmem:s18+$0x14440]  }
0xd2: {  	v11 =	vld [tilespmem:s18+$0x4440]  }
0xd3: {  	v12 =	vld [tilespmem:s18+$0x14450]  }
0xd4: {  	v13 =	vld [tilespmem:s18+$0x4450]  }
0xd5: {  	v14 =	vld [tilespmem:s18+$0x14460]  }
0xd6: {  	v15 =	vld [tilespmem:s18+$0x4460]  }
0xd7: {  	v16 =	vld [tilespmem:s18+$0x14470]  }
0xd8: {  	v17 =	vld [tilespmem:s18+$0x4470]  }
0xd9: {  	v18 =	vld [tilespmem:s18+$0x14480]  }
0xda: {  	v19 =	vld [tilespmem:s18+$0x4480]  }
0xdb: {  	v20 =	vld [tilespmem:s18+$0x14490]  }
0xdc: {  	v21 =	vld [tilespmem:s18+$0x4490]  }
0xdd: {  	v22 =	vld [tilespmem:s18+$0x144A0]  }
0xde: {  	v23 =	vld [tilespmem:s18+$0x44A0]  }
0xdf: {  	v24 =	vld [tilespmem:s18+$0x144B0]  }
0xe0: {  	v25 =	vld [tilespmem:s18+$0x44B0]  }
0xe1: {  	v26 =	vld [tilespmem:s18+$0x144C0]  }
0xe2: {  	v27 =	vld [tilespmem:s18+$0x44C0]  }
0xe3: {  	v28 =	vld [tilespmem:s18+$0x144D0]  }
0xe4: {  	v29 =	vld [tilespmem:s18+$0x44D0]  }
0xe5: {  	v30 =	vld [tilespmem:s18+$0x144E0]  }
0xe6: {  	v31 =	vld [tilespmem:s18+$0x44E0]  }
0xe7: {  	v32 =	vld [tilespmem:s18+$0x144F0]  }
0xe8: {  	v51 =	vld [tilespmem:s18+$0x4520];
	v0 =	vadd.f32 v1, v0  }
0xe9: {  	v52 =	vld [tilespmem:s18+$0x14530];
	v2 =	vadd.f32 v3, v2  }
0xea: {  	v53 =	vld [tilespmem:s18+$0x4530];
	[tilespmem:s18+$0x145F0] =	vst v0;
	v0 =	vadd.f32 v5, v4  }
0xeb: {  	v54 =	vld [tilespmem:s18+$0x14540];
	[tilespmem:s18+$0x14400] =	vst v2;
	v2 =	vadd.f32 v7, v6  }
0xec: {  	v55 =	vld [tilespmem:s18+$0x4540];
	[tilespmem:s18+$0x14410] =	vst v0;
	v0 =	vadd.f32 v49, v48  }
0xed: {  	v56 =	vld [tilespmem:s18+$0x14550];
	[tilespmem:s18+$0x14420] =	vst v2;
	v2 =	vadd.f32 v11, v50  }
0xee: {  	v57 =	vld [tilespmem:s18+$0x4550];
	[tilespmem:s18+$0x14430] =	vst v0;
	v0 =	vadd.f32 v13, v12  }
0xef: {  	v58 =	vld [tilespmem:s18+$0x14560];
	[tilespmem:s18+$0x14440] =	vst v2;
	v2 =	vadd.f32 v15, v14  }
0xf0: {  	v59 =	vld [tilespmem:s18+$0x4560];
	[tilespmem:s18+$0x14450] =	vst v0;
	v0 =	vadd.f32 v17, v16  }
0xf1: {  	v1 =	vld [tilespmem:s18+$0x44F0];
	[tilespmem:s18+$0x14460] =	vst v2;
	v2 =	vadd.f32 v19, v18  }
0xf2: {  	v3 =	vld [tilespmem:s18+$0x14500];
	[tilespmem:s18+$0x14470] =	vst v0;
	v0 =	vadd.f32 v21, v20  }
0xf3: {  	v4 =	vld [tilespmem:s18+$0x4500];
	[tilespmem:s18+$0x14480] =	vst v2;
	v2 =	vadd.f32 v23, v22  }
0xf4: {  	v5 =	vld [tilespmem:s18+$0x14510];
	[tilespmem:s18+$0x14490] =	vst v0;
	v0 =	vadd.f32 v25, v24  }
0xf5: {  	v6 =	vld [tilespmem:s18+$0x4510];
	[tilespmem:s18+$0x144A0] =	vst v2;
	v2 =	vadd.f32 v27, v26  }
0xf6: {  	v7 =	vld [tilespmem:s18+$0x14520];
	[tilespmem:s18+$0x144B0] =	vst v0;
	v0 =	vadd.f32 v29, v28  }
0xf7: {  	v60 =	vld [tilespmem:s18+$0x14570];
	[tilespmem:s18+$0x144C0] =	vst v2;
	v2 =	vadd.f32 v31, v30  }
0xf8: {  	v61 =	vld [tilespmem:s18+$0x45A0];
	[tilespmem:s18+$0x144D0] =	vst v0;
	v0 =	vadd.f32 v1, v32  }
0xf9: {  	v1 =	vld [tilespmem:s18+$0x4570];
	[tilespmem:s18+$0x144E0] =	vst v2;
	v2 =	vadd.f32 v4, v3  }
0xfa: {  	v3 =	vld [tilespmem:s18+$0x14580];
	[tilespmem:s18+$0x144F0] =	vst v0;
	v0 =	vadd.f32 v6, v5  }
0xfb: {  	v4 =	vld [tilespmem:s18+$0x4580];
	[tilespmem:s18+$0x14500] =	vst v2;
	v2 =	vadd.f32 v51, v7  }
0xfc: {  	v5 =	vld [tilespmem:s18+$0x14590];
	[tilespmem:s18+$0x14510] =	vst v0;
	v0 =	vadd.f32 v53, v52  }
0xfd: {  	v6 =	vld [tilespmem:s18+$0x4590];
	[tilespmem:s18+$0x14520] =	vst v2;
	v2 =	vadd.f32 v55, v54  }
0xfe: {  	v7 =	vld [tilespmem:s18+$0x145A0];
	v1 =	vadd.f32 v1, v60;
	[tilespmem:s18+$0x14530] =	vst v0  }
0xff: {  	v62 =	vld [tilespmem:s18+$0x145B0];
	v0 =	vadd.f32 v57, v56;
	[tilespmem:s18+$0x14540] =	vst v2  }
0x100: {  	v63 =	vld [tilespmem:s18+$0x45B0];
	v2 =	vadd.f32 v59, v58;
	[tilespmem:s18+$0x14570] =	vst v1  }
0x101: {  	v3 =	vadd.f32 v4, v3;
	[tilespmem:s18+$0x14550] =	vst v0;
	v0 =	vld [tilespmem:s18+$0x145C0]  }
0x102: {  	v4 =	vadd.f32 v6, v5;
	[tilespmem:s18+$0x14560] =	vst v2;
	v2 =	vld [tilespmem:s18+$0x45C0]  }
0x103: {  	[tilespmem:s18+$0x14580] =	vst v3;
	v5 =	vadd.f32 v61, v7;
	v1 =	vld [tilespmem:s18+$0x145D0]  }
0x104: {  	v3 =	vld [tilespmem:s18+$0x45D0];
	[tilespmem:s18+$0x14590] =	vst v4  }
0x105: {  	s19 =	simm.s32 $0x0;
	s20 =	simm.s32 $0x800;
	[tilespmem:s18+$0x145A0] =	vst v5;
	v5 =	vadd.f32 v63, v62;
	v4 =	vld [tilespmem:s18+$0x145E0]  }
.LBB2_4:
0x106: {  	s21 =	sshra.s32 s20, $0x2;
	v6 =	vld [tilespmem:s18+$0x45E0]  }
0x107: {  	s19 =	sadd.s32 $0x8, s19;
	v7 =	vld [tilespmem:s21+$0x145F0];
	[tilespmem:s18+$0x145B0] =	vst v5;
	v0 =	vadd.f32 v2, v0  }
0x108: {  	p0 =	slt.u32 s19, $0xF8;
	v2 =	vld [tilespmem:s21+$0x45F0]  }
0x109: {  	v5 =	vld [tilespmem:s21+$0x14400];
	[tilespmem:s18+$0x145C0] =	vst v0;
	v0 =	vadd.f32 v3, v1  }
0x10a: {  	v1 =	vld [tilespmem:s21+$0x4400]  }
0x10b: {  	v3 =	vld [tilespmem:s21+$0x14410];
	[tilespmem:s18+$0x145D0] =	vst v0;
	v0 =	vadd.f32 v6, v4  }
0x10c: {  	v4 =	vld [tilespmem:s21+$0x4410]  }
0x10d: {  	v6 =	vld [tilespmem:s21+$0x14420];
	v2 =	vadd.f32 v2, v7;
	[tilespmem:s18+$0x145E0] =	vst v0;
	s18 =	smov.u32 s21  }
0x10e: {  	v0 =	vld [tilespmem:s18+$0x4420]  }
0x10f: {  	v1 =	vadd.f32 v1, v5;
	v5 =	vld [tilespmem:s18+$0x14430];
	[tilespmem:s18+$0x145F0] =	vst v2  }
0x110: {  	v2 =	vld [tilespmem:s18+$0x4430]  }
0x111: {  	[tilespmem:s18+$0x14400] =	vst v1;
	v1 =	vadd.f32 v4, v3;
	v3 =	vld [tilespmem:s18+$0x14440]  }
0x112: {  	v4 =	vld [tilespmem:s18+$0x4440]  }
0x113: {  	[tilespmem:s18+$0x14410] =	vst v1;
	v0 =	vadd.f32 v0, v6;
	v1 =	vld [tilespmem:s18+$0x14450]  }
0x114: {  	v6 =	vld [tilespmem:s18+$0x4450]  }
0x115: {  	[tilespmem:s18+$0x14420] =	vst v0;
	v0 =	vadd.f32 v2, v5;
	v2 =	vld [tilespmem:s18+$0x14460]  }
0x116: {  	v5 =	vld [tilespmem:s18+$0x4460]  }
0x117: {  	[tilespmem:s18+$0x14430] =	vst v0;
	v0 =	vadd.f32 v4, v3;
	v3 =	vld [tilespmem:s18+$0x14470]  }
0x118: {  	v4 =	vld [tilespmem:s18+$0x4470]  }
0x119: {  	[tilespmem:s18+$0x14440] =	vst v0;
	v0 =	vadd.f32 v6, v1;
	v1 =	vld [tilespmem:s18+$0x14480]  }
0x11a: {  	v6 =	vld [tilespmem:s18+$0x4480]  }
0x11b: {  	[tilespmem:s18+$0x14450] =	vst v0;
	v0 =	vadd.f32 v5, v2;
	v2 =	vld [tilespmem:s18+$0x14490]  }
0x11c: {  	v5 =	vld [tilespmem:s18+$0x4490]  }
0x11d: {  	[tilespmem:s18+$0x14460] =	vst v0;
	v0 =	vadd.f32 v4, v3;
	v3 =	vld [tilespmem:s18+$0x144A0]  }
0x11e: {  	v4 =	vld [tilespmem:s18+$0x44A0]  }
0x11f: {  	[tilespmem:s18+$0x14470] =	vst v0;
	v0 =	vadd.f32 v6, v1;
	v1 =	vld [tilespmem:s18+$0x144B0]  }
0x120: {  	v6 =	vld [tilespmem:s18+$0x44B0]  }
0x121: {  	[tilespmem:s18+$0x14480] =	vst v0;
	v0 =	vadd.f32 v5, v2;
	v2 =	vld [tilespmem:s18+$0x144C0]  }
0x122: {  	v5 =	vld [tilespmem:s18+$0x44C0]  }
0x123: {  	[tilespmem:s18+$0x14490] =	vst v0;
	v0 =	vadd.f32 v4, v3;
	v3 =	vld [tilespmem:s18+$0x144D0]  }
0x124: {  	v4 =	vld [tilespmem:s18+$0x44D0]  }
0x125: {  	[tilespmem:s18+$0x144A0] =	vst v0;
	v0 =	vadd.f32 v6, v1;
	v1 =	vld [tilespmem:s18+$0x144E0]  }
0x126: {  	v6 =	vld [tilespmem:s18+$0x44E0]  }
0x127: {  	[tilespmem:s18+$0x144B0] =	vst v0;
	v0 =	vadd.f32 v5, v2;
	v2 =	vld [tilespmem:s18+$0x144F0]  }
0x128: {  	v5 =	vld [tilespmem:s18+$0x44F0]  }
0x129: {  	[tilespmem:s18+$0x144C0] =	vst v0;
	v0 =	vadd.f32 v4, v3;
	v3 =	vld [tilespmem:s18+$0x14500]  }
0x12a: {  	v4 =	vld [tilespmem:s18+$0x4500]  }
0x12b: {  	[tilespmem:s18+$0x144D0] =	vst v0;
	v0 =	vadd.f32 v6, v1;
	v1 =	vld [tilespmem:s18+$0x14510]  }
0x12c: {  	v6 =	vld [tilespmem:s18+$0x4510]  }
0x12d: {  	[tilespmem:s18+$0x144E0] =	vst v0;
	v0 =	vadd.f32 v5, v2;
	v2 =	vld [tilespmem:s18+$0x14520]  }
0x12e: {  	v5 =	vld [tilespmem:s18+$0x4520]  }
0x12f: {  	[tilespmem:s18+$0x144F0] =	vst v0;
	v0 =	vadd.f32 v4, v3;
	v3 =	vld [tilespmem:s18+$0x14530]  }
0x130: {  	v4 =	vld [tilespmem:s18+$0x4530]  }
0x131: {  	[tilespmem:s18+$0x14500] =	vst v0;
	v0 =	vadd.f32 v6, v1;
	v1 =	vld [tilespmem:s18+$0x14540]  }
0x132: {  	v6 =	vld [tilespmem:s18+$0x4540]  }
0x133: {  	[tilespmem:s18+$0x14510] =	vst v0;
	v0 =	vadd.f32 v5, v2;
	v2 =	vld [tilespmem:s18+$0x14550]  }
0x134: {  	v5 =	vld [tilespmem:s18+$0x4550]  }
0x135: {  	[tilespmem:s18+$0x14520] =	vst v0;
	v0 =	vadd.f32 v4, v3;
	v3 =	vld [tilespmem:s18+$0x14560]  }
0x136: {  	v4 =	vld [tilespmem:s18+$0x4560]  }
0x137: {  	[tilespmem:s18+$0x14530] =	vst v0;
	v0 =	vadd.f32 v6, v1;
	v1 =	vld [tilespmem:s18+$0x14570]  }
0x138: {  	v6 =	vld [tilespmem:s18+$0x4570]  }
0x139: {  	[tilespmem:s18+$0x14540] =	vst v0;
	v0 =	vadd.f32 v5, v2;
	v2 =	vld [tilespmem:s18+$0x14580]  }
0x13a: {  	v5 =	vld [tilespmem:s18+$0x4580]  }
0x13b: {  	[tilespmem:s18+$0x14550] =	vst v0;
	v0 =	vadd.f32 v4, v3;
	v3 =	vld [tilespmem:s18+$0x14590]  }
0x13c: {  	v4 =	vld [tilespmem:s18+$0x4590]  }
0x13d: {  	[tilespmem:s18+$0x14560] =	vst v0;
	v0 =	vadd.f32 v6, v1;
	v1 =	vld [tilespmem:s18+$0x145A0]  }
0x13e: {  	v6 =	vld [tilespmem:s18+$0x45A0]  }
0x13f: {  	[tilespmem:s18+$0x14570] =	vst v0;
	v0 =	vadd.f32 v5, v2;
	v5 =	vld [tilespmem:s18+$0x145B0]  }
0x140: {  	v7 =	vld [tilespmem:s18+$0x45B0]  }
.Ltmp1:
0x141: {  	[tilespmem:s18+$0x14580] =	vst v0;
	v3 =	vadd.f32 v4, v3;
	v0 =	vld [tilespmem:s18+$0x145C0];
	(pc) =	sbr.rel @p0 .LBB2_4-.Ltmp1, $4  }
0x142: {  	v2 =	vld [tilespmem:s18+$0x45C0]  }
0x143: {  	[tilespmem:s18+$0x14590] =	vst v3;
	v4 =	vadd.f32 v6, v1;
	v1 =	vld [tilespmem:s18+$0x145D0]  }
0x144: {  	v3 =	vld [tilespmem:s18+$0x45D0]  }
0x145: {  	s20 =	sadd.s32 $0x800, s20;
	[tilespmem:s18+$0x145A0] =	vst v4;
	v5 =	vadd.f32 v7, v5;
	v4 =	vld [tilespmem:s18+$0x145E0]  }
0x146: {  	v6 =	vld [tilespmem:s18+$0x45E0];
	_ =	sdelay $0x2  }
0x147: {  	v0 =	vadd.f32 v2, v0  }
0x148: {  	[tilespmem:s18+$0x145B0] =	vst v5;
	v1 =	vadd.f32 v3, v1  }
0x149: {  	[tilespmem:s18+$0x145C0] =	vst v0;
	v0 =	vadd.f32 v6, v4  }
0x14a: {  	[tilespmem:s18+$0x145D0] =	vst v1  }
0x14b: {  	s21 =	simm.s32 $0x0;
	[tilespmem:s18+$0x145E0] =	vst v0  }
0x14c: {  	[hbm4b:s8+s21] =	stream.linear.scatter [tilespmem:s1], [sflag:$0x2], $0x4000, $0x38;
	[tilespmem:$0x18400] =	vst v63  }
0x14d: {  	_ =	swait.ge [sflag:s16], $0x4000  }
0x14e: {  	[sflag:s16] =	ssyncset.done $0x0  }
0x14f: {  	[sflag:s16] =	ssyncadd.s32 $0xFFFFC000  }
0x150: {  	[tilespmem:s31], [sflag:$0x3] =	stream.linear.gather [hbm4b:s9+s21], $0x4000, $0x38;
	[tilespmem:$0x18400] =	vst v63  }
0x151: {  	_ =	swait.ge [sflag:s14], $0x4000  }
0x152: {  	[sflag:s14] =	ssyncset.done $0x0  }
0x153: {  	[sflag:s14] =	ssyncadd.s32 $0xFFFFC000  }
0x154: {  	_ =	swait.ge [sflag:s0], $0x2000  }
0x155: {  	[sflag:s0] =	ssyncset.done $0x0  }
0x156: {  	[sflag:s0] =	ssyncadd.s32 $0xFFFFE000  }
0x157: {  	_ =	swait.ge [sflag:s0], $0x2000  }
0x158: {  	[sflag:s0] =	ssyncset.done $0x0  }
0x159: {  	s18 =	simm.s32 $0x0;
	[sflag:s0] =	ssyncadd.s32 $0xFFFFE000  }
0x15a: {  	v0 =	vld [tilespmem:s18+$0x105F0]  }
0x15b: {  	v1 =	vld [tilespmem:s18+$0x85F0]  }
0x15c: {  	v2 =	vld [tilespmem:s18+$0x10400]  }
0x15d: {  	v3 =	vld [tilespmem:s18+$0x8400]  }
0x15e: {  	v4 =	vld [tilespmem:s18+$0x10410]  }
0x15f: {  	v5 =	vld [tilespmem:s18+$0x8410]  }
0x160: {  	v6 =	vld [tilespmem:s18+$0x10420]  }
0x161: {  	v7 =	vld [tilespmem:s18+$0x8420]  }
0x162: {  	v8 =	vld [tilespmem:s18+$0x10430]  }
0x163: {  	v9 =	vld [tilespmem:s18+$0x8430]  }
0x164: {  	v10 =	vld [tilespmem:s18+$0x10440]  }
0x165: {  	v11 =	vld [tilespmem:s18+$0x8440]  }
0x166: {  	v12 =	vld [tilespmem:s18+$0x10450]  }
0x167: {  	v13 =	vld [tilespmem:s18+$0x8450]  }
0x168: {  	v14 =	vld [tilespmem:s18+$0x10460]  }
0x169: {  	v15 =	vld [tilespmem:s18+$0x8460]  }
0x16a: {  	v16 =	vld [tilespmem:s18+$0x10470]  }
0x16b: {  	v17 =	vld [tilespmem:s18+$0x8470]  }
0x16c: {  	v18 =	vld [tilespmem:s18+$0x10480]  }
0x16d: {  	v19 =	vld [tilespmem:s18+$0x8480]  }
0x16e: {  	v20 =	vld [tilespmem:s18+$0x10490]  }
0x16f: {  	v21 =	vld [tilespmem:s18+$0x8490]  }
0x170: {  	v22 =	vld [tilespmem:s18+$0x104A0]  }
0x171: {  	v23 =	vld [tilespmem:s18+$0x84A0]  }
0x172: {  	v24 =	vld [tilespmem:s18+$0x104B0]  }
0x173: {  	v25 =	vld [tilespmem:s18+$0x84B0]  }
0x174: {  	v26 =	vld [tilespmem:s18+$0x104C0]  }
0x175: {  	v27 =	vld [tilespmem:s18+$0x84C0]  }
0x176: {  	v28 =	vld [tilespmem:s18+$0x104D0]  }
0x177: {  	v29 =	vld [tilespmem:s18+$0x84D0]  }
0x178: {  	v30 =	vld [tilespmem:s18+$0x104E0]  }
0x179: {  	v31 =	vld [tilespmem:s18+$0x84E0]  }
0x17a: {  	v32 =	vld [tilespmem:s18+$0x104F0]  }
0x17b: {  	v51 =	vld [tilespmem:s18+$0x8520];
	v0 =	vadd.f32 v1, v0  }
0x17c: {  	v52 =	vld [tilespmem:s18+$0x10530];
	v2 =	vadd.f32 v3, v2  }
0x17d: {  	v53 =	vld [tilespmem:s18+$0x8530];
	[tilespmem:s18+$0x105F0] =	vst v0;
	v0 =	vadd.f32 v5, v4  }
0x17e: {  	v54 =	vld [tilespmem:s18+$0x10540];
	[tilespmem:s18+$0x10400] =	vst v2;
	v2 =	vadd.f32 v7, v6  }
0x17f: {  	v55 =	vld [tilespmem:s18+$0x8540];
	[tilespmem:s18+$0x10410] =	vst v0;
	v0 =	vadd.f32 v9, v8  }
0x180: {  	v56 =	vld [tilespmem:s18+$0x10550];
	[tilespmem:s18+$0x10420] =	vst v2;
	v2 =	vadd.f32 v11, v10  }
0x181: {  	v57 =	vld [tilespmem:s18+$0x8550];
	[tilespmem:s18+$0x10430] =	vst v0;
	v0 =	vadd.f32 v13, v12  }
0x182: {  	v58 =	vld [tilespmem:s18+$0x10560];
	[tilespmem:s18+$0x10440] =	vst v2;
	v2 =	vadd.f32 v15, v14  }
0x183: {  	v59 =	vld [tilespmem:s18+$0x8560];
	[tilespmem:s18+$0x10450] =	vst v0;
	v0 =	vadd.f32 v17, v16  }
0x184: {  	v1 =	vld [tilespmem:s18+$0x84F0];
	[tilespmem:s18+$0x10460] =	vst v2;
	v2 =	vadd.f32 v19, v18  }
0x185: {  	v3 =	vld [tilespmem:s18+$0x10500];
	[tilespmem:s18+$0x10470] =	vst v0;
	v0 =	vadd.f32 v21, v20  }
0x186: {  	v4 =	vld [tilespmem:s18+$0x8500];
	[tilespmem:s18+$0x10480] =	vst v2;
	v2 =	vadd.f32 v23, v22  }
0x187: {  	v5 =	vld [tilespmem:s18+$0x10510];
	[tilespmem:s18+$0x10490] =	vst v0;
	v0 =	vadd.f32 v25, v24  }
0x188: {  	v6 =	vld [tilespmem:s18+$0x8510];
	[tilespmem:s18+$0x104A0] =	vst v2;
	v2 =	vadd.f32 v27, v26  }
0x189: {  	v7 =	vld [tilespmem:s18+$0x10520];
	[tilespmem:s18+$0x104B0] =	vst v0;
	v0 =	vadd.f32 v29, v28  }
0x18a: {  	v60 =	vld [tilespmem:s18+$0x10570];
	[tilespmem:s18+$0x104C0] =	vst v2;
	v2 =	vadd.f32 v31, v30  }
0x18b: {  	v61 =	vld [tilespmem:s18+$0x85A0];
	[tilespmem:s18+$0x104D0] =	vst v0;
	v0 =	vadd.f32 v1, v32  }
0x18c: {  	v1 =	vld [tilespmem:s18+$0x8570];
	[tilespmem:s18+$0x104E0] =	vst v2;
	v2 =	vadd.f32 v4, v3  }
0x18d: {  	v3 =	vld [tilespmem:s18+$0x10580];
	[tilespmem:s18+$0x104F0] =	vst v0;
	v0 =	vadd.f32 v6, v5  }
0x18e: {  	v4 =	vld [tilespmem:s18+$0x8580];
	[tilespmem:s18+$0x10500] =	vst v2;
	v2 =	vadd.f32 v51, v7  }
0x18f: {  	v5 =	vld [tilespmem:s18+$0x10590];
	[tilespmem:s18+$0x10510] =	vst v0;
	v0 =	vadd.f32 v53, v52  }
0x190: {  	v6 =	vld [tilespmem:s18+$0x8590];
	[tilespmem:s18+$0x10520] =	vst v2;
	v2 =	vadd.f32 v55, v54  }
0x191: {  	v7 =	vld [tilespmem:s18+$0x105A0];
	v1 =	vadd.f32 v1, v60;
	[tilespmem:s18+$0x10530] =	vst v0  }
0x192: {  	v62 =	vld [tilespmem:s18+$0x105B0];
	v0 =	vadd.f32 v57, v56;
	[tilespmem:s18+$0x10540] =	vst v2  }
0x193: {  	v63 =	vld [tilespmem:s18+$0x85B0];
	v2 =	vadd.f32 v59, v58;
	[tilespmem:s18+$0x10570] =	vst v1  }
0x194: {  	v3 =	vadd.f32 v4, v3;
	[tilespmem:s18+$0x10550] =	vst v0;
	v0 =	vld [tilespmem:s18+$0x105C0]  }
0x195: {  	v4 =	vadd.f32 v6, v5;
	[tilespmem:s18+$0x10560] =	vst v2;
	v2 =	vld [tilespmem:s18+$0x85C0]  }
0x196: {  	[tilespmem:s18+$0x10580] =	vst v3;
	v5 =	vadd.f32 v61, v7;
	v1 =	vld [tilespmem:s18+$0x105D0]  }
0x197: {  	v3 =	vld [tilespmem:s18+$0x85D0];
	[tilespmem:s18+$0x10590] =	vst v4  }
0x198: {  	s19 =	simm.s32 $0x0;
	s20 =	simm.s32 $0x800;
	[tilespmem:s18+$0x105A0] =	vst v5;
	v5 =	vadd.f32 v63, v62;
	v4 =	vld [tilespmem:s18+$0x105E0]  }
.LBB2_6:
0x199: {  	s21 =	sshra.s32 s20, $0x2;
	v6 =	vld [tilespmem:s18+$0x85E0]  }
0x19a: {  	s19 =	sadd.s32 $0x8, s19;
	v7 =	vld [tilespmem:s21+$0x105F0];
	[tilespmem:s18+$0x105B0] =	vst v5;
	v0 =	vadd.f32 v2, v0  }
0x19b: {  	p0 =	slt.u32 s19, $0xF8;
	v2 =	vld [tilespmem:s21+$0x85F0]  }
0x19c: {  	v5 =	vld [tilespmem:s21+$0x10400];
	[tilespmem:s18+$0x105C0] =	vst v0;
	v0 =	vadd.f32 v3, v1  }
0x19d: {  	v1 =	vld [tilespmem:s21+$0x8400]  }
0x19e: {  	v3 =	vld [tilespmem:s21+$0x10410];
	[tilespmem:s18+$0x105D0] =	vst v0;
	v0 =	vadd.f32 v6, v4  }
0x19f: {  	v4 =	vld [tilespmem:s21+$0x8410]  }
0x1a0: {  	v6 =	vld [tilespmem:s21+$0x10420];
	v2 =	vadd.f32 v2, v7;
	[tilespmem:s18+$0x105E0] =	vst v0;
	s18 =	smov.u32 s21  }
0x1a1: {  	v0 =	vld [tilespmem:s18+$0x8420]  }
0x1a2: {  	v1 =	vadd.f32 v1, v5;
	v5 =	vld [tilespmem:s18+$0x10430];
	[tilespmem:s18+$0x105F0] =	vst v2  }
0x1a3: {  	v2 =	vld [tilespmem:s18+$0x8430]  }
0x1a4: {  	[tilespmem:s18+$0x10400] =	vst v1;
	v1 =	vadd.f32 v4, v3;
	v3 =	vld [tilespmem:s18+$0x10440]  }
0x1a5: {  	v4 =	vld [tilespmem:s18+$0x8440]  }
0x1a6: {  	[tilespmem:s18+$0x10410] =	vst v1;
	v0 =	vadd.f32 v0, v6;
	v1 =	vld [tilespmem:s18+$0x10450]  }
0x1a7: {  	v6 =	vld [tilespmem:s18+$0x8450]  }
0x1a8: {  	[tilespmem:s18+$0x10420] =	vst v0;
	v0 =	vadd.f32 v2, v5;
	v2 =	vld [tilespmem:s18+$0x10460]  }
0x1a9: {  	v5 =	vld [tilespmem:s18+$0x8460]  }
0x1aa: {  	[tilespmem:s18+$0x10430] =	vst v0;
	v0 =	vadd.f32 v4, v3;
	v3 =	vld [tilespmem:s18+$0x10470]  }
0x1ab: {  	v4 =	vld [tilespmem:s18+$0x8470]  }
0x1ac: {  	[tilespmem:s18+$0x10440] =	vst v0;
	v0 =	vadd.f32 v6, v1;
	v1 =	vld [tilespmem:s18+$0x10480]  }
0x1ad: {  	v6 =	vld [tilespmem:s18+$0x8480]  }
0x1ae: {  	[tilespmem:s18+$0x10450] =	vst v0;
	v0 =	vadd.f32 v5, v2;
	v2 =	vld [tilespmem:s18+$0x10490]  }
0x1af: {  	v5 =	vld [tilespmem:s18+$0x8490]  }
0x1b0: {  	[tilespmem:s18+$0x10460] =	vst v0;
	v0 =	vadd.f32 v4, v3;
	v3 =	vld [tilespmem:s18+$0x104A0]  }
0x1b1: {  	v4 =	vld [tilespmem:s18+$0x84A0]  }
0x1b2: {  	[tilespmem:s18+$0x10470] =	vst v0;
	v0 =	vadd.f32 v6, v1;
	v1 =	vld [tilespmem:s18+$0x104B0]  }
0x1b3: {  	v6 =	vld [tilespmem:s18+$0x84B0]  }
0x1b4: {  	[tilespmem:s18+$0x10480] =	vst v0;
	v0 =	vadd.f32 v5, v2;
	v2 =	vld [tilespmem:s18+$0x104C0]  }
0x1b5: {  	v5 =	vld [tilespmem:s18+$0x84C0]  }
0x1b6: {  	[tilespmem:s18+$0x10490] =	vst v0;
	v0 =	vadd.f32 v4, v3;
	v3 =	vld [tilespmem:s18+$0x104D0]  }
0x1b7: {  	v4 =	vld [tilespmem:s18+$0x84D0]  }
0x1b8: {  	[tilespmem:s18+$0x104A0] =	vst v0;
	v0 =	vadd.f32 v6, v1;
	v1 =	vld [tilespmem:s18+$0x104E0]  }
0x1b9: {  	v6 =	vld [tilespmem:s18+$0x84E0]  }
0x1ba: {  	[tilespmem:s18+$0x104B0] =	vst v0;
	v0 =	vadd.f32 v5, v2;
	v2 =	vld [tilespmem:s18+$0x104F0]  }
0x1bb: {  	v5 =	vld [tilespmem:s18+$0x84F0]  }
0x1bc: {  	[tilespmem:s18+$0x104C0] =	vst v0;
	v0 =	vadd.f32 v4, v3;
	v3 =	vld [tilespmem:s18+$0x10500]  }
0x1bd: {  	v4 =	vld [tilespmem:s18+$0x8500]  }
0x1be: {  	[tilespmem:s18+$0x104D0] =	vst v0;
	v0 =	vadd.f32 v6, v1;
	v1 =	vld [tilespmem:s18+$0x10510]  }
0x1bf: {  	v6 =	vld [tilespmem:s18+$0x8510]  }
0x1c0: {  	[tilespmem:s18+$0x104E0] =	vst v0;
	v0 =	vadd.f32 v5, v2;
	v2 =	vld [tilespmem:s18+$0x10520]  }
0x1c1: {  	v5 =	vld [tilespmem:s18+$0x8520]  }
0x1c2: {  	[tilespmem:s18+$0x104F0] =	vst v0;
	v0 =	vadd.f32 v4, v3;
	v3 =	vld [tilespmem:s18+$0x10530]  }
0x1c3: {  	v4 =	vld [tilespmem:s18+$0x8530]  }
0x1c4: {  	[tilespmem:s18+$0x10500] =	vst v0;
	v0 =	vadd.f32 v6, v1;
	v1 =	vld [tilespmem:s18+$0x10540]  }
0x1c5: {  	v6 =	vld [tilespmem:s18+$0x8540]  }
0x1c6: {  	[tilespmem:s18+$0x10510] =	vst v0;
	v0 =	vadd.f32 v5, v2;
	v2 =	vld [tilespmem:s18+$0x10550]  }
0x1c7: {  	v5 =	vld [tilespmem:s18+$0x8550]  }
0x1c8: {  	[tilespmem:s18+$0x10520] =	vst v0;
	v0 =	vadd.f32 v4, v3;
	v3 =	vld [tilespmem:s18+$0x10560]  }
0x1c9: {  	v4 =	vld [tilespmem:s18+$0x8560]  }
0x1ca: {  	[tilespmem:s18+$0x10530] =	vst v0;
	v0 =	vadd.f32 v6, v1;
	v1 =	vld [tilespmem:s18+$0x10570]  }
0x1cb: {  	v6 =	vld [tilespmem:s18+$0x8570]  }
0x1cc: {  	[tilespmem:s18+$0x10540] =	vst v0;
	v0 =	vadd.f32 v5, v2;
	v2 =	vld [tilespmem:s18+$0x10580]  }
0x1cd: {  	v5 =	vld [tilespmem:s18+$0x8580]  }
0x1ce: {  	[tilespmem:s18+$0x10550] =	vst v0;
	v0 =	vadd.f32 v4, v3;
	v3 =	vld [tilespmem:s18+$0x10590]  }
0x1cf: {  	v4 =	vld [tilespmem:s18+$0x8590]  }
0x1d0: {  	[tilespmem:s18+$0x10560] =	vst v0;
	v0 =	vadd.f32 v6, v1;
	v1 =	vld [tilespmem:s18+$0x105A0]  }
0x1d1: {  	v6 =	vld [tilespmem:s18+$0x85A0]  }
0x1d2: {  	[tilespmem:s18+$0x10570] =	vst v0;
	v0 =	vadd.f32 v5, v2;
	v5 =	vld [tilespmem:s18+$0x105B0]  }
0x1d3: {  	v7 =	vld [tilespmem:s18+$0x85B0]  }
.Ltmp2:
0x1d4: {  	[tilespmem:s18+$0x10580] =	vst v0;
	v3 =	vadd.f32 v4, v3;
	v0 =	vld [tilespmem:s18+$0x105C0];
	(pc) =	sbr.rel @p0 .LBB2_6-.Ltmp2, $4  }
0x1d5: {  	v2 =	vld [tilespmem:s18+$0x85C0]  }
0x1d6: {  	[tilespmem:s18+$0x10590] =	vst v3;
	v4 =	vadd.f32 v6, v1;
	v1 =	vld [tilespmem:s18+$0x105D0]  }
0x1d7: {  	v3 =	vld [tilespmem:s18+$0x85D0]  }
0x1d8: {  	s20 =	sadd.s32 $0x800, s20;
	[tilespmem:s18+$0x105A0] =	vst v4;
	v5 =	vadd.f32 v7, v5;
	v4 =	vld [tilespmem:s18+$0x105E0]  }
0x1d9: {  	v6 =	vld [tilespmem:s18+$0x85E0];
	_ =	sdelay $0x2  }
0x1da: {  	v0 =	vadd.f32 v2, v0  }
0x1db: {  	[tilespmem:s18+$0x105B0] =	vst v5;
	v1 =	vadd.f32 v3, v1  }
0x1dc: {  	[tilespmem:s18+$0x105C0] =	vst v0;
	v0 =	vadd.f32 v6, v4  }
0x1dd: {  	[tilespmem:s18+$0x105D0] =	vst v1  }
0x1de: {  	s21 =	simm.s32 $0x0;
	[tilespmem:s18+$0x105E0] =	vst v0  }
0x1df: {  	[hbm4b:s10+s21] =	stream.linear.scatter [tilespmem:s31], [sflag:$0x2], $0x4000, $0x38;
	[tilespmem:$0x18400] =	vst v63  }
0x1e0: {  	_ =	swait.ge [sflag:s16], $0x4000  }
0x1e1: {  	[sflag:s16] =	ssyncset.done $0x0  }
0x1e2: {  	[sflag:s16] =	ssyncadd.s32 $0xFFFFC000  }
0x1e3: {  	[tilespmem:s1], [sflag:$0x3] =	stream.linear.gather [hbm4b:s11+s21], $0x4000, $0x38;
	[tilespmem:$0x18400] =	vst v63  }
0x1e4: {  	_ =	swait.ge [sflag:s14], $0x4000  }
0x1e5: {  	[sflag:s14] =	ssyncset.done $0x0  }
0x1e6: {  	[sflag:s14] =	ssyncadd.s32 $0xFFFFC000  }
0x1e7: {  	_ =	swait.ge [sflag:s0], $0x2000  }
0x1e8: {  	[sflag:s0] =	ssyncset.done $0x0  }
0x1e9: {  	[sflag:s0] =	ssyncadd.s32 $0xFFFFE000  }
0x1ea: {  	_ =	swait.ge [sflag:s0], $0x2000  }
0x1eb: {  	[sflag:s0] =	ssyncset.done $0x0  }
0x1ec: {  	s18 =	simm.s32 $0x0;
	[sflag:s0] =	ssyncadd.s32 $0xFFFFE000  }
0x1ed: {  	v0 =	vld [tilespmem:s18+$0x145F0]  }
0x1ee: {  	v1 =	vld [tilespmem:s18+$0xC5F0]  }
0x1ef: {  	v2 =	vld [tilespmem:s18+$0x14400]  }
0x1f0: {  	v3 =	vld [tilespmem:s18+$0xC400]  }
0x1f1: {  	v4 =	vld [tilespmem:s18+$0x14410]  }
0x1f2: {  	v5 =	vld [tilespmem:s18+$0xC410]  }
0x1f3: {  	v6 =	vld [tilespmem:s18+$0x14420]  }
0x1f4: {  	v7 =	vld [tilespmem:s18+$0xC420]  }
0x1f5: {  	v8 =	vld [tilespmem:s18+$0x14430]  }
0x1f6: {  	v9 =	vld [tilespmem:s18+$0xC430]  }
0x1f7: {  	v10 =	vld [tilespmem:s18+$0x14440]  }
0x1f8: {  	v11 =	vld [tilespmem:s18+$0xC440]  }
0x1f9: {  	v12 =	vld [tilespmem:s18+$0x14450]  }
0x1fa: {  	v13 =	vld [tilespmem:s18+$0xC450]  }
0x1fb: {  	v14 =	vld [tilespmem:s18+$0x14460]  }
0x1fc: {  	v15 =	vld [tilespmem:s18+$0xC460]  }
0x1fd: {  	v16 =	vld [tilespmem:s18+$0x14470]  }
0x1fe: {  	v17 =	vld [tilespmem:s18+$0xC470]  }
0x1ff: {  	v18 =	vld [tilespmem:s18+$0x14480]  }
0x200: {  	v19 =	vld [tilespmem:s18+$0xC480]  }
0x201: {  	v20 =	vld [tilespmem:s18+$0x14490]  }
0x202: {  	v21 =	vld [tilespmem:s18+$0xC490]  }
0x203: {  	v22 =	vld [tilespmem:s18+$0x144A0]  }
0x204: {  	v23 =	vld [tilespmem:s18+$0xC4A0]  }
0x205: {  	v24 =	vld [tilespmem:s18+$0x144B0]  }
0x206: {  	v25 =	vld [tilespmem:s18+$0xC4B0]  }
0x207: {  	v26 =	vld [tilespmem:s18+$0x144C0]  }
0x208: {  	v27 =	vld [tilespmem:s18+$0xC4C0]  }
0x209: {  	v28 =	vld [tilespmem:s18+$0x144D0]  }
0x20a: {  	v29 =	vld [tilespmem:s18+$0xC4D0]  }
0x20b: {  	v30 =	vld [tilespmem:s18+$0x144E0]  }
0x20c: {  	v31 =	vld [tilespmem:s18+$0xC4E0]  }
0x20d: {  	v32 =	vld [tilespmem:s18+$0x144F0]  }
0x20e: {  	v51 =	vld [tilespmem:s18+$0xC520];
	v0 =	vadd.f32 v1, v0  }
0x20f: {  	v52 =	vld [tilespmem:s18+$0x14530];
	v2 =	vadd.f32 v3, v2  }
0x210: {  	v53 =	vld [tilespmem:s18+$0xC530];
	[tilespmem:s18+$0x145F0] =	vst v0;
	v0 =	vadd.f32 v5, v4  }
0x211: {  	v54 =	vld [tilespmem:s18+$0x14540];
	[tilespmem:s18+$0x14400] =	vst v2;
	v2 =	vadd.f32 v7, v6  }
0x212: {  	v55 =	vld [tilespmem:s18+$0xC540];
	[tilespmem:s18+$0x14410] =	vst v0;
	v0 =	vadd.f32 v9, v8  }
0x213: {  	v56 =	vld [tilespmem:s18+$0x14550];
	[tilespmem:s18+$0x14420] =	vst v2;
	v2 =	vadd.f32 v11, v10  }
0x214: {  	v57 =	vld [tilespmem:s18+$0xC550];
	[tilespmem:s18+$0x14430] =	vst v0;
	v0 =	vadd.f32 v13, v12  }
0x215: {  	v58 =	vld [tilespmem:s18+$0x14560];
	[tilespmem:s18+$0x14440] =	vst v2;
	v2 =	vadd.f32 v15, v14  }
0x216: {  	v59 =	vld [tilespmem:s18+$0xC560];
	[tilespmem:s18+$0x14450] =	vst v0;
	v0 =	vadd.f32 v17, v16  }
0x217: {  	v1 =	vld [tilespmem:s18+$0xC4F0];
	[tilespmem:s18+$0x14460] =	vst v2;
	v2 =	vadd.f32 v19, v18  }
0x218: {  	v3 =	vld [tilespmem:s18+$0x14500];
	[tilespmem:s18+$0x14470] =	vst v0;
	v0 =	vadd.f32 v21, v20  }
0x219: {  	v4 =	vld [tilespmem:s18+$0xC500];
	[tilespmem:s18+$0x14480] =	vst v2;
	v2 =	vadd.f32 v23, v22  }
0x21a: {  	v5 =	vld [tilespmem:s18+$0x14510];
	[tilespmem:s18+$0x14490] =	vst v0;
	v0 =	vadd.f32 v25, v24  }
0x21b: {  	v6 =	vld [tilespmem:s18+$0xC510];
	[tilespmem:s18+$0x144A0] =	vst v2;
	v2 =	vadd.f32 v27, v26  }
0x21c: {  	v7 =	vld [tilespmem:s18+$0x14520];
	[tilespmem:s18+$0x144B0] =	vst v0;
	v0 =	vadd.f32 v29, v28  }
0x21d: {  	v60 =	vld [tilespmem:s18+$0x14570];
	[tilespmem:s18+$0x144C0] =	vst v2;
	v2 =	vadd.f32 v31, v30  }
0x21e: {  	v61 =	vld [tilespmem:s18+$0xC5A0];
	[tilespmem:s18+$0x144D0] =	vst v0;
	v0 =	vadd.f32 v1, v32  }
0x21f: {  	v1 =	vld [tilespmem:s18+$0xC570];
	[tilespmem:s18+$0x144E0] =	vst v2;
	v2 =	vadd.f32 v4, v3  }
0x220: {  	v3 =	vld [tilespmem:s18+$0x14580];
	[tilespmem:s18+$0x144F0] =	vst v0;
	v0 =	vadd.f32 v6, v5  }
0x221: {  	v4 =	vld [tilespmem:s18+$0xC580];
	[tilespmem:s18+$0x14500] =	vst v2;
	v2 =	vadd.f32 v51, v7  }
0x222: {  	v5 =	vld [tilespmem:s18+$0x14590];
	[tilespmem:s18+$0x14510] =	vst v0;
	v0 =	vadd.f32 v53, v52  }
0x223: {  	v6 =	vld [tilespmem:s18+$0xC590];
	[tilespmem:s18+$0x14520] =	vst v2;
	v2 =	vadd.f32 v55, v54  }
0x224: {  	v7 =	vld [tilespmem:s18+$0x145A0];
	v1 =	vadd.f32 v1, v60;
	[tilespmem:s18+$0x14530] =	vst v0  }
0x225: {  	v62 =	vld [tilespmem:s18+$0x145B0];
	v0 =	vadd.f32 v57, v56;
	[tilespmem:s18+$0x14540] =	vst v2  }
0x226: {  	v63 =	vld [tilespmem:s18+$0xC5B0];
	v2 =	vadd.f32 v59, v58;
	[tilespmem:s18+$0x14570] =	vst v1  }
0x227: {  	v3 =	vadd.f32 v4, v3;
	[tilespmem:s18+$0x14550] =	vst v0;
	v0 =	vld [tilespmem:s18+$0x145C0]  }
0x228: {  	v4 =	vadd.f32 v6, v5;
	[tilespmem:s18+$0x14560] =	vst v2;
	v2 =	vld [tilespmem:s18+$0xC5C0]  }
0x229: {  	[tilespmem:s18+$0x14580] =	vst v3;
	v5 =	vadd.f32 v61, v7;
	v1 =	vld [tilespmem:s18+$0x145D0]  }
0x22a: {  	v3 =	vld [tilespmem:s18+$0xC5D0];
	[tilespmem:s18+$0x14590] =	vst v4  }
0x22b: {  	s19 =	simm.s32 $0x0;
	s20 =	simm.s32 $0x800;
	[tilespmem:s18+$0x145A0] =	vst v5;
	v5 =	vadd.f32 v63, v62;
	v4 =	vld [tilespmem:s18+$0x145E0]  }
.LBB2_8:
0x22c: {  	s21 =	sshra.s32 s20, $0x2;
	v6 =	vld [tilespmem:s18+$0xC5E0]  }
0x22d: {  	s19 =	sadd.s32 $0x8, s19;
	v7 =	vld [tilespmem:s21+$0x145F0];
	[tilespmem:s18+$0x145B0] =	vst v5;
	v0 =	vadd.f32 v2, v0  }
0x22e: {  	p0 =	slt.u32 s19, $0xF8;
	v2 =	vld [tilespmem:s21+$0xC5F0]  }
0x22f: {  	v5 =	vld [tilespmem:s21+$0x14400];
	[tilespmem:s18+$0x145C0] =	vst v0;
	v0 =	vadd.f32 v3, v1  }
0x230: {  	v1 =	vld [tilespmem:s21+$0xC400]  }
0x231: {  	v3 =	vld [tilespmem:s21+$0x14410];
	[tilespmem:s18+$0x145D0] =	vst v0;
	v0 =	vadd.f32 v6, v4  }
0x232: {  	v4 =	vld [tilespmem:s21+$0xC410]  }
0x233: {  	v6 =	vld [tilespmem:s21+$0x14420];
	v2 =	vadd.f32 v2, v7;
	[tilespmem:s18+$0x145E0] =	vst v0;
	s18 =	smov.u32 s21  }
0x234: {  	v0 =	vld [tilespmem:s18+$0xC420]  }
0x235: {  	v1 =	vadd.f32 v1, v5;
	v5 =	vld [tilespmem:s18+$0x14430];
	[tilespmem:s18+$0x145F0] =	vst v2  }
0x236: {  	v2 =	vld [tilespmem:s18+$0xC430]  }
0x237: {  	[tilespmem:s18+$0x14400] =	vst v1;
	v1 =	vadd.f32 v4, v3;
	v3 =	vld [tilespmem:s18+$0x14440]  }
0x238: {  	v4 =	vld [tilespmem:s18+$0xC440]  }
0x239: {  	[tilespmem:s18+$0x14410] =	vst v1;
	v0 =	vadd.f32 v0, v6;
	v1 =	vld [tilespmem:s18+$0x14450]  }
0x23a: {  	v6 =	vld [tilespmem:s18+$0xC450]  }
0x23b: {  	[tilespmem:s18+$0x14420] =	vst v0;
	v0 =	vadd.f32 v2, v5;
	v2 =	vld [tilespmem:s18+$0x14460]  }
0x23c: {  	v5 =	vld [tilespmem:s18+$0xC460]  }
0x23d: {  	[tilespmem:s18+$0x14430] =	vst v0;
	v0 =	vadd.f32 v4, v3;
	v3 =	vld [tilespmem:s18+$0x14470]  }
0x23e: {  	v4 =	vld [tilespmem:s18+$0xC470]  }
0x23f: {  	[tilespmem:s18+$0x14440] =	vst v0;
	v0 =	vadd.f32 v6, v1;
	v1 =	vld [tilespmem:s18+$0x14480]  }
0x240: {  	v6 =	vld [tilespmem:s18+$0xC480]  }
0x241: {  	[tilespmem:s18+$0x14450] =	vst v0;
	v0 =	vadd.f32 v5, v2;
	v2 =	vld [tilespmem:s18+$0x14490]  }
0x242: {  	v5 =	vld [tilespmem:s18+$0xC490]  }
0x243: {  	[tilespmem:s18+$0x14460] =	vst v0;
	v0 =	vadd.f32 v4, v3;
	v3 =	vld [tilespmem:s18+$0x144A0]  }
0x244: {  	v4 =	vld [tilespmem:s18+$0xC4A0]  }
0x245: {  	[tilespmem:s18+$0x14470] =	vst v0;
	v0 =	vadd.f32 v6, v1;
	v1 =	vld [tilespmem:s18+$0x144B0]  }
0x246: {  	v6 =	vld [tilespmem:s18+$0xC4B0]  }
0x247: {  	[tilespmem:s18+$0x14480] =	vst v0;
	v0 =	vadd.f32 v5, v2;
	v2 =	vld [tilespmem:s18+$0x144C0]  }
0x248: {  	v5 =	vld [tilespmem:s18+$0xC4C0]  }
0x249: {  	[tilespmem:s18+$0x14490] =	vst v0;
	v0 =	vadd.f32 v4, v3;
	v3 =	vld [tilespmem:s18+$0x144D0]  }
0x24a: {  	v4 =	vld [tilespmem:s18+$0xC4D0]  }
0x24b: {  	[tilespmem:s18+$0x144A0] =	vst v0;
	v0 =	vadd.f32 v6, v1;
	v1 =	vld [tilespmem:s18+$0x144E0]  }
0x24c: {  	v6 =	vld [tilespmem:s18+$0xC4E0]  }
0x24d: {  	[tilespmem:s18+$0x144B0] =	vst v0;
	v0 =	vadd.f32 v5, v2;
	v2 =	vld [tilespmem:s18+$0x144F0]  }
0x24e: {  	v5 =	vld [tilespmem:s18+$0xC4F0]  }
0x24f: {  	[tilespmem:s18+$0x144C0] =	vst v0;
	v0 =	vadd.f32 v4, v3;
	v3 =	vld [tilespmem:s18+$0x14500]  }
0x250: {  	v4 =	vld [tilespmem:s18+$0xC500]  }
0x251: {  	[tilespmem:s18+$0x144D0] =	vst v0;
	v0 =	vadd.f32 v6, v1;
	v1 =	vld [tilespmem:s18+$0x14510]  }
0x252: {  	v6 =	vld [tilespmem:s18+$0xC510]  }
0x253: {  	[tilespmem:s18+$0x144E0] =	vst v0;
	v0 =	vadd.f32 v5, v2;
	v2 =	vld [tilespmem:s18+$0x14520]  }
0x254: {  	v5 =	vld [tilespmem:s18+$0xC520]  }
0x255: {  	[tilespmem:s18+$0x144F0] =	vst v0;
	v0 =	vadd.f32 v4, v3;
	v3 =	vld [tilespmem:s18+$0x14530]  }
0x256: {  	v4 =	vld [tilespmem:s18+$0xC530]  }
0x257: {  	[tilespmem:s18+$0x14500] =	vst v0;
	v0 =	vadd.f32 v6, v1;
	v1 =	vld [tilespmem:s18+$0x14540]  }
0x258: {  	v6 =	vld [tilespmem:s18+$0xC540]  }
0x259: {  	[tilespmem:s18+$0x14510] =	vst v0;
	v0 =	vadd.f32 v5, v2;
	v2 =	vld [tilespmem:s18+$0x14550]  }
0x25a: {  	v5 =	vld [tilespmem:s18+$0xC550]  }
0x25b: {  	[tilespmem:s18+$0x14520] =	vst v0;
	v0 =	vadd.f32 v4, v3;
	v3 =	vld [tilespmem:s18+$0x14560]  }
0x25c: {  	v4 =	vld [tilespmem:s18+$0xC560]  }
0x25d: {  	[tilespmem:s18+$0x14530] =	vst v0;
	v0 =	vadd.f32 v6, v1;
	v1 =	vld [tilespmem:s18+$0x14570]  }
0x25e: {  	v6 =	vld [tilespmem:s18+$0xC570]  }
0x25f: {  	[tilespmem:s18+$0x14540] =	vst v0;
	v0 =	vadd.f32 v5, v2;
	v2 =	vld [tilespmem:s18+$0x14580]  }
0x260: {  	v5 =	vld [tilespmem:s18+$0xC580]  }
0x261: {  	[tilespmem:s18+$0x14550] =	vst v0;
	v0 =	vadd.f32 v4, v3;
	v3 =	vld [tilespmem:s18+$0x14590]  }
0x262: {  	v4 =	vld [tilespmem:s18+$0xC590]  }
0x263: {  	[tilespmem:s18+$0x14560] =	vst v0;
	v0 =	vadd.f32 v6, v1;
	v1 =	vld [tilespmem:s18+$0x145A0]  }
0x264: {  	v6 =	vld [tilespmem:s18+$0xC5A0]  }
0x265: {  	[tilespmem:s18+$0x14570] =	vst v0;
	v0 =	vadd.f32 v5, v2;
	v5 =	vld [tilespmem:s18+$0x145B0]  }
0x266: {  	v7 =	vld [tilespmem:s18+$0xC5B0]  }
.Ltmp3:
0x267: {  	[tilespmem:s18+$0x14580] =	vst v0;
	v3 =	vadd.f32 v4, v3;
	v0 =	vld [tilespmem:s18+$0x145C0];
	(pc) =	sbr.rel @p0 .LBB2_8-.Ltmp3, $4  }
0x268: {  	v2 =	vld [tilespmem:s18+$0xC5C0]  }
0x269: {  	[tilespmem:s18+$0x14590] =	vst v3;
	v4 =	vadd.f32 v6, v1;
	v1 =	vld [tilespmem:s18+$0x145D0]  }
0x26a: {  	v3 =	vld [tilespmem:s18+$0xC5D0]  }
0x26b: {  	s20 =	sadd.s32 $0x800, s20;
	[tilespmem:s18+$0x145A0] =	vst v4;
	v5 =	vadd.f32 v7, v5;
	v4 =	vld [tilespmem:s18+$0x145E0]  }
0x26c: {  	v6 =	vld [tilespmem:s18+$0xC5E0];
	_ =	sdelay $0x2  }
0x26d: {  	v0 =	vadd.f32 v2, v0  }
0x26e: {  	[tilespmem:s18+$0x145B0] =	vst v5;
	v1 =	vadd.f32 v3, v1  }
0x26f: {  	[tilespmem:s18+$0x145C0] =	vst v0;
	v63 =	vadd.f32 v6, v4  }
0x270: {  	[tilespmem:s18+$0x145D0] =	vst v1  }
0x271: {  	s17 =	sadd.s32 $0x1, s17;
	[tilespmem:s18+$0x145E0] =	vst v63  }
0x272: {  	[hbm4b:s12+s2] =	stream.linear.scatter [tilespmem:s1], [sflag:$0x2], $0x4000, $0x38;
	[tilespmem:$0x18400] =	vst v63  }
0x273: {  	p0 =	sne.s32 s17, s13;
	_ =	swait.ge [sflag:s16], $0x4000  }
.Ltmp4:
0x274: {  	[sflag:s16] =	ssyncset.done $0x0;
	(pc) =	sbr.rel @p0 .LBB2_1-.Ltmp4, $4  }
0x275: {  	[sflag:s16] =	ssyncadd.s32 $0xFFFFC000  }
0x276: {  	_ =	swait.ge [sflag:s16], $0x4000  }
0x277: {  	[sflag:s16] =	ssyncset.done $0x0  }
0x278: {  	[sflag:s16] =	ssyncadd.s32 $0xFFFFC000  }
0x279: {  	_ =	sfence.sel $0x180000  }
0x27a: {  	[bflag:$0x0] =	sbarrier.arrive $0xFFFF  }
0x27b: {  	_ =	strace $0x90000047  }
0x27c: {  	s0 =	stileid.u32;
	[bflag:$0x2] =	sbarrier.arrive $0xFFFF  }
0x27d: {  	p0 =	sne.s32 s0, $0x0;
	s0 =	rddreg [dreg:$0x2]  }
0x27e: {  	s0 =	sadd.s32 @!p0 $0x100000, s0  }
0x27f: {  	[sflag:s0] =	ssyncadd.tile.s32 @!p0 $0x1;
	_ =	shalt  }
.Lfunc_end2:
_tile_overlayer_lowered:
.L_overlay_start_2:
0x280: {  	(tag) =	ssettag $0x2  }
0x281: {  	s0 =	rddreg [dreg:$0x0];
	s2 =	stileid.u32  }
0x282: {  	s1 =	rddreg [dreg:$0x1];
	p0 =	sne.s32 s2, $0x0  }
0x283: {  	s3 =	rddreg [dreg:$0x2];
	[bflag:$0x3] =	sbarrier.arrive $0xFFFF;
	s2 =	simm.s32 @!p0 $0x1C03  }
0x284: {  	[timem:s3], [sflag:s2] =	dma.local @!p0 [hbm:s0], s1  }
0x285: {  	s0 =	simm.s32 @!p0 $0x3  }
0x286: {  	_ =	swait.ge @!p0 [sflag:s0], s1  }
0x287: {  	s1 =	ssub.s32 @!p0 $0x0, s1;
	[sflag:s0] =	ssyncset.done @!p0 $0x0  }
0x288: {  	[sflag:s0] =	ssyncadd.s32 @!p0 s1  }
0x289: {  	[bflag:$0x3] =	sbarrier.arrive $0xFFFF  }
0x28a: {  	_ =	shalt  }

</sc_bundles>
